<compile_context>
chip_gen: v7x
topology: tpu7x:2x2x1
jax: 0.10.2.dev20260603
libtpu: 0.0.44.dev20260713+nightly
codegen_flags: <defaults>
</compile_context>

<pallas_src>
import functools
import jax
import jax.numpy as jnp
from jax import lax
from jax.experimental import pallas as pl
from jax.experimental.pallas import tpu as pltpu
from jax.experimental.pallas import tpu_sc as plsc

N = 10000
D = 128
H = 16
OUT = 16

N_PAD = 10240
CHUNK = 128
NUM_TILES = 32
ROWS_PER_TILE = N_PAD // 16
K = 4
NBUF = 2


def _tile_id():
    cid = lax.axis_index("c")
    sid = lax.axis_index("s")
    return cid * 16 + sid, cid, sid


def _make_sc_hist(e_pad):
    chunks_per_tile = e_pad // (NUM_TILES * CHUNK)
    mesh = plsc.VectorSubcoreMesh(core_axis_name="c", subcore_axis_name="s")

    @functools.partial(
        pl.kernel,
        out_type=jax.ShapeDtypeStruct((2, N_PAD, 16), jnp.float32),
        mesh=mesh,
        compiler_params=pltpu.CompilerParams(use_tc_tiling_on_sc=False),
        scratch_types=[
            pltpu.VMEM((e_pad // (NUM_TILES * CHUNK), CHUNK), jnp.int32),
            pltpu.VMEM((CHUNK, 16), jnp.float32),
            pltpu.VMEM_SHARED((N_PAD, 16), jnp.float32),
        ],
    )
    def hist(idx_hbm, ones_hbm, zeros_hbm, out_hbm, dst_v, ones_v, cnt_sh):
        tid, cid, sid = _tile_id()
        row0 = sid * ROWS_PER_TILE
        pltpu.sync_copy(zeros_hbm.at[pl.ds(row0, ROWS_PER_TILE)],
                        cnt_sh.at[pl.ds(row0, ROWS_PER_TILE)])
        pltpu.sync_copy(ones_hbm, ones_v)
        pltpu.sync_copy(idx_hbm.at[1, pl.ds(tid * chunks_per_tile, chunks_per_tile)],
                        dst_v)
        plsc.subcore_barrier()

        def body(j, carry):
            pltpu.sync_copy(ones_v, cnt_sh.at[dst_v.at[j]], add=True)
            return carry

        lax.fori_loop(0, chunks_per_tile, body, 0)
        plsc.subcore_barrier()
        pltpu.sync_copy(cnt_sh.at[pl.ds(row0, ROWS_PER_TILE)],
                        out_hbm.at[cid, pl.ds(row0, ROWS_PER_TILE)])

    return hist


def _make_sc_segsum(e_pad):
    chunks_per_tile = e_pad // (NUM_TILES * CHUNK)
    mesh = plsc.VectorSubcoreMesh(core_axis_name="c", subcore_axis_name="s")

    @functools.partial(
        pl.kernel,
        out_type=jax.ShapeDtypeStruct((2, N_PAD, 64), jnp.float32),
        mesh=mesh,
        compiler_params=pltpu.CompilerParams(use_tc_tiling_on_sc=False),
        scratch_types=[
            pltpu.VMEM((chunks_per_tile, CHUNK), jnp.int32),
            pltpu.VMEM((chunks_per_tile, CHUNK), jnp.int32),
            pltpu.VMEM((CHUNK, 64), jnp.float32),
            pltpu.VMEM_SHARED((N_PAD, 64), jnp.float32),
            pltpu.VMEM_SHARED((N_PAD, 64), jnp.float32),
        ],
    )
    def segsum(m_hbm, idx_hbm, zeros_hbm, out_hbm, src_v, dst_v, rows_v,
               m_sh, s_sh):
        tid, cid, sid = _tile_id()
        row0 = sid * ROWS_PER_TILE
        pltpu.sync_copy(zeros_hbm.at[pl.ds(row0, ROWS_PER_TILE)],
                        s_sh.at[pl.ds(row0, ROWS_PER_TILE)])
        pltpu.sync_copy(m_hbm.at[pl.ds(row0, ROWS_PER_TILE)],
                        m_sh.at[pl.ds(row0, ROWS_PER_TILE)])
        pltpu.sync_copy(idx_hbm.at[0, pl.ds(tid * chunks_per_tile, chunks_per_tile)],
                        src_v)
        pltpu.sync_copy(idx_hbm.at[1, pl.ds(tid * chunks_per_tile, chunks_per_tile)],
                        dst_v)
        plsc.subcore_barrier()

        def body(j, carry):
            pltpu.sync_copy(m_sh.at[src_v.at[j]], rows_v)
            pltpu.sync_copy(rows_v, s_sh.at[dst_v.at[j]], add=True)
            return carry

        lax.fori_loop(0, chunks_per_tile, body, 0)
        plsc.subcore_barrier()
        pltpu.sync_copy(s_sh.at[pl.ds(row0, ROWS_PER_TILE)],
                        out_hbm.at[cid, pl.ds(row0, ROWS_PER_TILE)])

    return segsum


def _tc_project_body(x_ref, w_ref, c0_ref, c1_ref, m_ref):
    p = jnp.dot(x_ref[...], w_ref[...], preferred_element_type=jnp.float32)
    deg = c0_ref[0, :, 0:1] + c1_ref[0, :, 0:1] + 1.0
    dinv = lax.rsqrt(deg)
    col = lax.broadcasted_iota(jnp.int32, p.shape, 1)
    m_ref[...] = jnp.where(col < 16, p * dinv, p)


def _tc_combine_body(x_ref, s0_ref, s1_ref, m_ref, c0_ref, c1_ref,
                     wn_ref, bc_ref, fw_ref, fb_ref, out_ref):
    s = s0_ref[0] + s1_ref[0]
    m = m_ref[...]
    cnt = c0_ref[0, :, 0:1] + c1_ref[0, :, 0:1]
    dinv = lax.rsqrt(cnt + 1.0)
    a = jnp.dot(x_ref[...], wn_ref[...], preferred_element_type=jnp.float32)
    bc = bc_ref[...]
    gcn = dinv * (s[:, 0:16] + m[:, 0:16]) + bc[:, 0:16]
    sage = s[:, 16:32] / jnp.maximum(cnt, 1.0) + bc[:, 16:32] + a[:, 0:16]
    gin = m[:, 32:48] + s[:, 32:48] + bc[:, 32:48]
    graph = s[:, 48:64] + bc[:, 48:64] + a[:, 16:32]
    cat = jnp.concatenate(
        [jax.nn.relu(gcn), jax.nn.relu(sage), jax.nn.relu(gin),
         jax.nn.relu(graph)], axis=1)
    out = jnp.dot(cat, fw_ref[...], preferred_element_type=jnp.float32)
    out_ref[...] = jax.nn.sigmoid(out + fb_ref[...])


def kernel(x, edge_index, gcn_w, gcn_b, sage_wl, sage_bl, sage_wr,
           gin_w, gin_b, graph_wrel, graph_brel, graph_wroot, fc_w, fc_b):
    e = edge_index.shape[1]
    e_pad = ((e + NUM_TILES * CHUNK - 1) // (NUM_TILES * CHUNK)) * (NUM_TILES * CHUNK)
    pad_e = e_pad - e
    pad_rows = N + jnp.arange(pad_e, dtype=jnp.int32) % (N_PAD - N)
    eidx = jnp.concatenate(
        [edge_index, jnp.broadcast_to(pad_rows, (2, pad_e))], axis=1)
    idx = eidx.reshape(2, -1, CHUNK)

    w_edge = jnp.concatenate([gcn_w, sage_wl, gin_w, graph_wrel], axis=1)
    w_node = jnp.concatenate([sage_wr, graph_wroot], axis=1)
    b_cat = jnp.concatenate([gcn_b, sage_bl, gin_b, graph_brel]).reshape(1, 64)

    ones128 = jnp.ones((CHUNK, 16), jnp.float32)
    zeros16 = jnp.zeros((N_PAD, 16), jnp.float32)
    zeros64 = jnp.zeros((N_PAD, 64), jnp.float32)

    cnt2 = _make_sc_hist(e_pad)(idx, ones128, zeros16)

    blk = 2048
    m = pl.pallas_call(
        _tc_project_body,
        grid=(N_PAD // blk,),
        in_specs=[
            pl.BlockSpec((blk, D), lambda i: (i, 0)),
            pl.BlockSpec((D, 64), lambda i: (0, 0)),
            pl.BlockSpec((1, blk, 16), lambda i: (0, i, 0)),
            pl.BlockSpec((1, blk, 16), lambda i: (1, i, 0)),
        ],
        out_specs=pl.BlockSpec((blk, 64), lambda i: (i, 0)),
        out_shape=jax.ShapeDtypeStruct((N_PAD, 64), jnp.float32),
    )(x, w_edge, cnt2, cnt2)

    s2 = _make_sc_segsum(e_pad)(m, idx, zeros64)

    blk2 = 2000
    out = pl.pallas_call(
        _tc_combine_body,
        grid=(N // blk2,),
        in_specs=[
            pl.BlockSpec((blk2, D), lambda i: (i, 0)),
            pl.BlockSpec((1, blk2, 64), lambda i: (0, i, 0)),
            pl.BlockSpec((1, blk2, 64), lambda i: (1, i, 0)),
            pl.BlockSpec((blk2, 64), lambda i: (i, 0)),
            pl.BlockSpec((1, blk2, 16), lambda i: (0, i, 0)),
            pl.BlockSpec((1, blk2, 16), lambda i: (1, i, 0)),
            pl.BlockSpec((D, 32), lambda i: (0, 0)),
            pl.BlockSpec((1, 64), lambda i: (0, 0)),
            pl.BlockSpec((64, OUT), lambda i: (0, 0)),
            pl.BlockSpec((1, OUT), lambda i: (0, 0)),
        ],
        out_specs=pl.BlockSpec((blk2, OUT), lambda i: (i, 0)),
        out_shape=jax.ShapeDtypeStruct((N, OUT), jnp.float32),
    )(x, s2, s2, m, cnt2, cnt2, w_node, b_cat, fc_w,
      fc_b.reshape(1, OUT))
    return out

# --- scband reference (transcript-rebuilt; emitter-appended) ---
"""Pipeline reference for scband-my-graph-network0000-39685497815927 (READ-ONLY COPY).

The authoritative reference and input builder live on the scoring server;
editing this copy changes nothing except your own understanding.
"""

import jax, jax.numpy as jnp
import numpy as np

N = 10000
E = 320000
D = 128
H = 16
OUT = 16

def setup_inputs(seed: int = 0) -> dict:
    key = jax.random.key(seed)
    ks = jax.random.split(key, 16)
    x = jax.random.normal(ks[0], (N, D), dtype=jnp.float32)
    edge_index = jax.random.randint(ks[1], (2, E), 0, N, dtype=jnp.int32)
    s_in = 1.0 / np.sqrt(D)
    s_h = 1.0 / np.sqrt(4 * H)
    gcn_w = jax.random.normal(ks[2], (D, H), jnp.float32) * s_in
    gcn_b = jnp.zeros((H,), jnp.float32)
    sage_wl = jax.random.normal(ks[3], (D, H), jnp.float32) * s_in
    sage_bl = jnp.zeros((H,), jnp.float32)
    sage_wr = jax.random.normal(ks[4], (D, H), jnp.float32) * s_in
    gin_w = jax.random.normal(ks[5], (D, H), jnp.float32) * s_in
    gin_b = jnp.zeros((H,), jnp.float32)
    graph_wrel = jax.random.normal(ks[6], (D, H), jnp.float32) * s_in
    graph_brel = jnp.zeros((H,), jnp.float32)
    graph_wroot = jax.random.normal(ks[7], (D, H), jnp.float32) * s_in
    fc_w = jax.random.normal(ks[8], (4 * H, OUT), jnp.float32) * s_h
    fc_b = jnp.zeros((OUT,), jnp.float32)
    return {"x": x, "edge_index": edge_index, "gcn_w": gcn_w, "gcn_b": gcn_b,
            "sage_wl": sage_wl, "sage_bl": sage_bl, "sage_wr": sage_wr,
            "gin_w": gin_w, "gin_b": gin_b,
            "graph_wrel": graph_wrel, "graph_brel": graph_brel, "graph_wroot": graph_wroot,
            "fc_w": fc_w, "fc_b": fc_b}

def reference(x, edge_index, gcn_w, gcn_b, sage_wl, sage_bl, sage_wr,
              gin_w, gin_b, graph_wrel, graph_brel, graph_wroot, fc_w, fc_b):
    src = edge_index[0]
    dst = edge_index[1]
    n = x.shape[0]

    # --- GCNConv branch (add self loops, symmetric norm) ---
    loop = jnp.arange(n, dtype=src.dtype)
    src2 = jnp.concatenate([src, loop])
    dst2 = jnp.concatenate([dst, loop])
    deg = jax.ops.segment_sum(jnp.ones_like(dst2, dtype=x.dtype), dst2, num_segments=n)
    dinv = jnp.where(deg > 0, deg ** -0.5, 0.0)
    h = x @ gcn_w
    norm = dinv[src2] * dinv[dst2]
    msg = h[src2] * norm[:, None]
    gcn_out = jax.ops.segment_sum(msg, dst2, num_segments=n) + gcn_b

    # --- SAGEConv branch (mean aggregation) ---
    nsum = jax.ops.segment_sum(x[src], dst, num_segments=n)
    cnt = jax.ops.segment_sum(jnp.ones_like(dst, dtype=x.dtype), dst, num_segments=n)
    mean = nsum / jnp.clip(cnt, 1.0)[:, None]
    sage_out = mean @ sage_wl + sage_bl + x @ sage_wr

    # --- GINConv branch (eps=0, nn = Linear + ReLU) ---
    agg = jax.ops.segment_sum(x[src], dst, num_segments=n)
    gin_out = jax.nn.relu((x + agg) @ gin_w + gin_b)

    # --- GraphConv branch (sum aggregation) ---
    graph_out = agg @ graph_wrel + graph_brel + x @ graph_wroot

    # option_list = ['gcn', 'sage', 'gin', 'graph']; dropout is identity in eval
    x1 = jax.nn.relu(gcn_out)
    x2 = jax.nn.relu(sage_out)
    x3 = jax.nn.relu(gin_out)
    x4 = jax.nn.relu(graph_out)
    out = jnp.concatenate([x1, x2, x3, x4], axis=1)
    out = out @ fc_w + fc_b
    return jax.nn.sigmoid(out)

if __name__ == "__main__":
    import jax
    _d = setup_inputs()
    print(jax.jit(kernel)(*tuple(_d.values())))

</pallas_src>

<mosaic_0001>
#map = affine_map<(d0, d1) -> (0, 0, 0)>
#map1 = affine_map<(d0, d1) -> (0, 0)>
module attributes {stable_mosaic.version = 14 : i64} {
  func.func @hist(%arg0: i32, %arg1: i32, %arg2: memref<2x2528x128xi32, #tpu.memory_space<hbm>>, %arg3: memref<128x16xf32, #tpu.memory_space<hbm>>, %arg4: memref<10240x16xf32, #tpu.memory_space<hbm>>, %arg5: memref<2x10240x16xf32, #tpu.memory_space<hbm>>, %arg6: memref<79x128xi32, #tpu.memory_space<vmem>>, %arg7: memref<128x16xf32, #tpu.memory_space<vmem>>, %arg8: memref<10240x16xf32, #tpu.memory_space<vmem_shared>>) attributes {dimension_semantics = [#tpu.dimension_semantics<core_parallel>, #tpu.dimension_semantics<subcore_parallel>], iteration_bounds = array<i64: 2, 16>, scalar_prefetch = 0 : i64, scratch_operands = 3 : i64, tpu.core_type = #tpu.core_type<sc_vector_subcore>, window_params = [{transform_indices = #map}, {transform_indices = #map1}, {transform_indices = #map1}, {transform_indices = #map}]} {
    %mul3A = arith.constant 16 : i32
    %mul3A_0 = arith.muli %arg0, %mul3A : i32
    %add3A = arith.addi %mul3A_0, %arg1 : i32
    %mul3A_1 = arith.constant 640 : i32
    %mul3A_2 = arith.muli %arg1, %mul3A_1 : i32
    "tpu.region"() ({
      %run_scoped3A_11 = tpu.sem_alloc : memref<!tpu.dma_semaphore, #tpu.memory_space<semaphore_mem>>
      %dma_start3A = arith.constant 0 : i32
      %dma_start3A_12 = tpu.memref_slice %arg8[%mul3A_2, %dma_start3A] : memref<10240x16xf32, #tpu.memory_space<vmem_shared>> -> memref<640x16xf32, #tpu.memory_space<vmem_shared>>
      %dma_start3A_13 = arith.constant 0 : i32
      %dma_start3A_14 = tpu.memref_slice %arg4[%mul3A_2, %dma_start3A_13] : memref<10240x16xf32, #tpu.memory_space<hbm>> -> memref<640x16xf32, #tpu.memory_space<hbm>>
      tpu.enqueue_dma source(%dma_start3A_14 : memref<640x16xf32, #tpu.memory_space<hbm>>) target(%dma_start3A_12 : memref<640x16xf32, #tpu.memory_space<vmem_shared>>) target_semaphore(%run_scoped3A_11 : memref<!tpu.dma_semaphore, #tpu.memory_space<semaphore_mem>>)
      %dma_wait3A = arith.constant 0 : i32
      %dma_wait3A_15 = tpu.memref_slice %arg8[%mul3A_2, %dma_wait3A] : memref<10240x16xf32, #tpu.memory_space<vmem_shared>> -> memref<640x16xf32, #tpu.memory_space<vmem_shared>>
      %dma_wait3A_16 = arith.constant 0 : i32
      %dma_wait3A_17 = tpu.memref_slice %arg4[%mul3A_2, %dma_wait3A_16] : memref<10240x16xf32, #tpu.memory_space<hbm>> -> memref<640x16xf32, #tpu.memory_space<hbm>>
      tpu.wait_dma2 semaphore(%run_scoped3A_11 : memref<!tpu.dma_semaphore, #tpu.memory_space<semaphore_mem>>) src(%dma_wait3A_17 : memref<640x16xf32, #tpu.memory_space<hbm>>) dst(%dma_wait3A_15 : memref<640x16xf32, #tpu.memory_space<vmem_shared>>)
      tpu.yield
    }) : () -> ()
    "tpu.region"() ({
      %run_scoped3A_11 = tpu.sem_alloc : memref<!tpu.dma_semaphore, #tpu.memory_space<semaphore_mem>>
      tpu.enqueue_dma source(%arg3 : memref<128x16xf32, #tpu.memory_space<hbm>>) target(%arg7 : memref<128x16xf32, #tpu.memory_space<vmem>>) target_semaphore(%run_scoped3A_11 : memref<!tpu.dma_semaphore, #tpu.memory_space<semaphore_mem>>)
      tpu.wait_dma2 semaphore(%run_scoped3A_11 : memref<!tpu.dma_semaphore, #tpu.memory_space<semaphore_mem>>) src(%arg3 : memref<128x16xf32, #tpu.memory_space<hbm>>) dst(%arg7 : memref<128x16xf32, #tpu.memory_space<vmem>>)
      tpu.yield
    }) : () -> ()
    %mul3A_3 = arith.constant 79 : i32
    %mul3A_4 = arith.muli %add3A, %mul3A_3 : i32
    %run_scoped3A = arith.constant 1 : i32
    "tpu.region"() ({
      %run_scoped3A_11 = tpu.sem_alloc : memref<!tpu.dma_semaphore, #tpu.memory_space<semaphore_mem>>
      %dma_start3A = arith.constant 0 : i32
      %dma_start3A_12 = tpu.memref_slice %arg2[%run_scoped3A, %mul3A_4, %dma_start3A] : memref<2x2528x128xi32, #tpu.memory_space<hbm>> -> memref<1x79x128xi32, #tpu.memory_space<hbm>>
      %dma_start3A_13 = tpu.memref_squeeze %dma_start3A_12 : memref<1x79x128xi32, #tpu.memory_space<hbm>> -> memref<79x128xi32, #tpu.memory_space<hbm>>
      %dma_start3A_14 = arith.constant 0 : i32
      %dma_start3A_15 = tpu.memref_slice %arg2[%run_scoped3A, %mul3A_4, %dma_start3A_14] : memref<2x2528x128xi32, #tpu.memory_space<hbm>> -> memref<1x79x128xi32, #tpu.memory_space<hbm>>
      %dma_start3A_16 = tpu.memref_squeeze %dma_start3A_15 : memref<1x79x128xi32, #tpu.memory_space<hbm>> -> memref<79x128xi32, #tpu.memory_space<hbm>>
      tpu.enqueue_dma source(%dma_start3A_16 : memref<79x128xi32, #tpu.memory_space<hbm>>) target(%arg6 : memref<79x128xi32, #tpu.memory_space<vmem>>) target_semaphore(%run_scoped3A_11 : memref<!tpu.dma_semaphore, #tpu.memory_space<semaphore_mem>>)
      %dma_wait3A = arith.constant 0 : i32
      %dma_wait3A_17 = tpu.memref_slice %arg2[%run_scoped3A, %mul3A_4, %dma_wait3A] : memref<2x2528x128xi32, #tpu.memory_space<hbm>> -> memref<1x79x128xi32, #tpu.memory_space<hbm>>
      %dma_wait3A_18 = tpu.memref_squeeze %dma_wait3A_17 : memref<1x79x128xi32, #tpu.memory_space<hbm>> -> memref<79x128xi32, #tpu.memory_space<hbm>>
      %dma_wait3A_19 = arith.constant 0 : i32
      %dma_wait3A_20 = tpu.memref_slice %arg2[%run_scoped3A, %mul3A_4, %dma_wait3A_19] : memref<2x2528x128xi32, #tpu.memory_space<hbm>> -> memref<1x79x128xi32, #tpu.memory_space<hbm>>
      %dma_wait3A_21 = tpu.memref_squeeze %dma_wait3A_20 : memref<1x79x128xi32, #tpu.memory_space<hbm>> -> memref<79x128xi32, #tpu.memory_space<hbm>>
      tpu.wait_dma2 semaphore(%run_scoped3A_11 : memref<!tpu.dma_semaphore, #tpu.memory_space<semaphore_mem>>) src(%dma_wait3A_21 : memref<79x128xi32, #tpu.memory_space<hbm>>) dst(%arg6 : memref<79x128xi32, #tpu.memory_space<vmem>>)
      tpu.yield
    }) : () -> ()
    %barrier3A = arith.constant 0 : index
    tpu.barrier barrier_id(%barrier3A)
    %scan3A = arith.constant 0 : i32
    %scan3A_5 = arith.constant 0 : i32
    %scan3A_6 = arith.constant 79 : i32
    %scan3A_7 = arith.addi %scan3A_5, %scan3A_6 : i32
    %scan3A_8 = arith.constant 1 : i32
    scf.for %scan3A_11 = %scan3A_5 to %scan3A_7 step %scan3A_8  : i32 {
      "tpu.region"() ({
        %run_scoped3A_12 = tpu.sem_alloc : memref<!tpu.dma_semaphore, #tpu.memory_space<semaphore_mem>>
        %dma_start3A = arith.constant 0 : i32
        %dma_start3A_13 = tpu.memref_slice %arg6[%scan3A_11, %dma_start3A] : memref<79x128xi32, #tpu.memory_space<vmem>> -> memref<1x128xi32, #tpu.memory_space<vmem>>
        %dma_start3A_14 = tpu.memref_squeeze %dma_start3A_13 : memref<1x128xi32, #tpu.memory_space<vmem>> -> memref<128xi32, #tpu.memory_space<vmem>>
        %dma_start3A_15 = arith.constant 0 : i32
        %dma_start3A_16 = arith.constant 0 : i32
        %dma_start3A_17 = tpu.memref_slice %arg8[%dma_start3A_15, %dma_start3A_16] : memref<10240x16xf32, #tpu.memory_space<vmem_shared>> -> memref<10240x16xf32, #tpu.memory_space<vmem_shared>>
        tpu.enqueue_indirect_dma source(%arg7 : memref<128x16xf32, #tpu.memory_space<vmem>>) target(%dma_start3A_17 : memref<10240x16xf32, #tpu.memory_space<vmem_shared>>) offsets(%dma_start3A_14 : memref<128xi32, #tpu.memory_space<vmem>>) semaphore(%run_scoped3A_12 : memref<!tpu.dma_semaphore, #tpu.memory_space<semaphore_mem>>) {add = true}
        %dma_wait3A = arith.constant 0 : i32
        %dma_wait3A_18 = tpu.memref_slice %arg6[%scan3A_11, %dma_wait3A] : memref<79x128xi32, #tpu.memory_space<vmem>> -> memref<1x128xi32, #tpu.memory_space<vmem>>
        %dma_wait3A_19 = tpu.memref_squeeze %dma_wait3A_18 : memref<1x128xi32, #tpu.memory_space<vmem>> -> memref<128xi32, #tpu.memory_space<vmem>>
        %dma_wait3A_20 = arith.constant 0 : i32
        %dma_wait3A_21 = arith.constant 0 : i32
        %dma_wait3A_22 = tpu.memref_slice %arg8[%dma_wait3A_20, %dma_wait3A_21] : memref<10240x16xf32, #tpu.memory_space<vmem_shared>> -> memref<10240x16xf32, #tpu.memory_space<vmem_shared>>
        tpu.wait_indirect_dma semaphore(%run_scoped3A_12 : memref<!tpu.dma_semaphore, #tpu.memory_space<semaphore_mem>>) src(%arg7 : memref<128x16xf32, #tpu.memory_space<vmem>>) dst(%dma_wait3A_22 : memref<10240x16xf32, #tpu.memory_space<vmem_shared>>)
        tpu.yield
      }) : () -> ()
    }
    %scan3A_9 = arith.constant 79 : i32
    %barrier3A_10 = arith.constant 0 : index
    tpu.barrier barrier_id(%barrier3A_10)
    "tpu.region"() ({
      %run_scoped3A_11 = tpu.sem_alloc : memref<!tpu.dma_semaphore, #tpu.memory_space<semaphore_mem>>
      %dma_start3A = arith.constant 0 : i32
      %dma_start3A_12 = tpu.memref_slice %arg5[%arg0, %mul3A_2, %dma_start3A] : memref<2x10240x16xf32, #tpu.memory_space<hbm>> -> memref<1x640x16xf32, #tpu.memory_space<hbm>>
      %dma_start3A_13 = tpu.memref_squeeze %dma_start3A_12 : memref<1x640x16xf32, #tpu.memory_space<hbm>> -> memref<640x16xf32, #tpu.memory_space<hbm>>
      %dma_start3A_14 = arith.constant 0 : i32
      %dma_start3A_15 = tpu.memref_slice %arg8[%mul3A_2, %dma_start3A_14] : memref<10240x16xf32, #tpu.memory_space<vmem_shared>> -> memref<640x16xf32, #tpu.memory_space<vmem_shared>>
      tpu.enqueue_dma source(%dma_start3A_15 : memref<640x16xf32, #tpu.memory_space<vmem_shared>>) target(%dma_start3A_13 : memref<640x16xf32, #tpu.memory_space<hbm>>) target_semaphore(%run_scoped3A_11 : memref<!tpu.dma_semaphore, #tpu.memory_space<semaphore_mem>>)
      %dma_wait3A = arith.constant 0 : i32
      %dma_wait3A_16 = tpu.memref_slice %arg5[%arg0, %mul3A_2, %dma_wait3A] : memref<2x10240x16xf32, #tpu.memory_space<hbm>> -> memref<1x640x16xf32, #tpu.memory_space<hbm>>
      %dma_wait3A_17 = tpu.memref_squeeze %dma_wait3A_16 : memref<1x640x16xf32, #tpu.memory_space<hbm>> -> memref<640x16xf32, #tpu.memory_space<hbm>>
      %dma_wait3A_18 = arith.constant 0 : i32
      %dma_wait3A_19 = tpu.memref_slice %arg8[%mul3A_2, %dma_wait3A_18] : memref<10240x16xf32, #tpu.memory_space<vmem_shared>> -> memref<640x16xf32, #tpu.memory_space<vmem_shared>>
      tpu.wait_dma2 semaphore(%run_scoped3A_11 : memref<!tpu.dma_semaphore, #tpu.memory_space<semaphore_mem>>) src(%dma_wait3A_19 : memref<640x16xf32, #tpu.memory_space<vmem_shared>>) dst(%dma_wait3A_17 : memref<640x16xf32, #tpu.memory_space<hbm>>)
      tpu.yield
    }) : () -> ()
    return
  }
}

#map = affine_map<(d0, d1) -> (0, 0)>
#map1 = affine_map<(d0, d1) -> (0, 0, 0)>
module attributes {stable_mosaic.version = 14 : i64} {
  func.func @segsum(%arg0: i32, %arg1: i32, %arg2: memref<10240x64xf32, #tpu.memory_space<hbm>>, %arg3: memref<2x2528x128xi32, #tpu.memory_space<hbm>>, %arg4: memref<10240x64xf32, #tpu.memory_space<hbm>>, %arg5: memref<2x10240x64xf32, #tpu.memory_space<hbm>>, %arg6: memref<79x128xi32, #tpu.memory_space<vmem>>, %arg7: memref<79x128xi32, #tpu.memory_space<vmem>>, %arg8: memref<128x64xf32, #tpu.memory_space<vmem>>, %arg9: memref<10240x64xf32, #tpu.memory_space<vmem_shared>>, %arg10: memref<10240x64xf32, #tpu.memory_space<vmem_shared>>) attributes {dimension_semantics = [#tpu.dimension_semantics<core_parallel>, #tpu.dimension_semantics<subcore_parallel>], iteration_bounds = array<i64: 2, 16>, scalar_prefetch = 0 : i64, scratch_operands = 5 : i64, tpu.core_type = #tpu.core_type<sc_vector_subcore>, window_params = [{transform_indices = #map}, {transform_indices = #map1}, {transform_indices = #map}, {transform_indices = #map1}]} {
    %mul3A = arith.constant 16 : i32
    %mul3A_0 = arith.muli %arg0, %mul3A : i32
    %add3A = arith.addi %mul3A_0, %arg1 : i32
    %mul3A_1 = arith.constant 640 : i32
    %mul3A_2 = arith.muli %arg1, %mul3A_1 : i32
    "tpu.region"() ({
      %run_scoped3A_14 = tpu.sem_alloc : memref<!tpu.dma_semaphore, #tpu.memory_space<semaphore_mem>>
      %dma_start3A = arith.constant 0 : i32
      %dma_start3A_15 = tpu.memref_slice %arg10[%mul3A_2, %dma_start3A] : memref<10240x64xf32, #tpu.memory_space<vmem_shared>> -> memref<640x64xf32, #tpu.memory_space<vmem_shared>>
      %dma_start3A_16 = arith.constant 0 : i32
      %dma_start3A_17 = tpu.memref_slice %arg4[%mul3A_2, %dma_start3A_16] : memref<10240x64xf32, #tpu.memory_space<hbm>> -> memref<640x64xf32, #tpu.memory_space<hbm>>
      tpu.enqueue_dma source(%dma_start3A_17 : memref<640x64xf32, #tpu.memory_space<hbm>>) target(%dma_start3A_15 : memref<640x64xf32, #tpu.memory_space<vmem_shared>>) target_semaphore(%run_scoped3A_14 : memref<!tpu.dma_semaphore, #tpu.memory_space<semaphore_mem>>)
      %dma_wait3A = arith.constant 0 : i32
      %dma_wait3A_18 = tpu.memref_slice %arg10[%mul3A_2, %dma_wait3A] : memref<10240x64xf32, #tpu.memory_space<vmem_shared>> -> memref<640x64xf32, #tpu.memory_space<vmem_shared>>
      %dma_wait3A_19 = arith.constant 0 : i32
      %dma_wait3A_20 = tpu.memref_slice %arg4[%mul3A_2, %dma_wait3A_19] : memref<10240x64xf32, #tpu.memory_space<hbm>> -> memref<640x64xf32, #tpu.memory_space<hbm>>
      tpu.wait_dma2 semaphore(%run_scoped3A_14 : memref<!tpu.dma_semaphore, #tpu.memory_space<semaphore_mem>>) src(%dma_wait3A_20 : memref<640x64xf32, #tpu.memory_space<hbm>>) dst(%dma_wait3A_18 : memref<640x64xf32, #tpu.memory_space<vmem_shared>>)
      tpu.yield
    }) : () -> ()
    "tpu.region"() ({
      %run_scoped3A_14 = tpu.sem_alloc : memref<!tpu.dma_semaphore, #tpu.memory_space<semaphore_mem>>
      %dma_start3A = arith.constant 0 : i32
      %dma_start3A_15 = tpu.memref_slice %arg9[%mul3A_2, %dma_start3A] : memref<10240x64xf32, #tpu.memory_space<vmem_shared>> -> memref<640x64xf32, #tpu.memory_space<vmem_shared>>
      %dma_start3A_16 = arith.constant 0 : i32
      %dma_start3A_17 = tpu.memref_slice %arg2[%mul3A_2, %dma_start3A_16] : memref<10240x64xf32, #tpu.memory_space<hbm>> -> memref<640x64xf32, #tpu.memory_space<hbm>>
      tpu.enqueue_dma source(%dma_start3A_17 : memref<640x64xf32, #tpu.memory_space<hbm>>) target(%dma_start3A_15 : memref<640x64xf32, #tpu.memory_space<vmem_shared>>) target_semaphore(%run_scoped3A_14 : memref<!tpu.dma_semaphore, #tpu.memory_space<semaphore_mem>>)
      %dma_wait3A = arith.constant 0 : i32
      %dma_wait3A_18 = tpu.memref_slice %arg9[%mul3A_2, %dma_wait3A] : memref<10240x64xf32, #tpu.memory_space<vmem_shared>> -> memref<640x64xf32, #tpu.memory_space<vmem_shared>>
      %dma_wait3A_19 = arith.constant 0 : i32
      %dma_wait3A_20 = tpu.memref_slice %arg2[%mul3A_2, %dma_wait3A_19] : memref<10240x64xf32, #tpu.memory_space<hbm>> -> memref<640x64xf32, #tpu.memory_space<hbm>>
      tpu.wait_dma2 semaphore(%run_scoped3A_14 : memref<!tpu.dma_semaphore, #tpu.memory_space<semaphore_mem>>) src(%dma_wait3A_20 : memref<640x64xf32, #tpu.memory_space<hbm>>) dst(%dma_wait3A_18 : memref<640x64xf32, #tpu.memory_space<vmem_shared>>)
      tpu.yield
    }) : () -> ()
    %mul3A_3 = arith.constant 79 : i32
    %mul3A_4 = arith.muli %add3A, %mul3A_3 : i32
    %run_scoped3A = arith.constant 0 : i32
    "tpu.region"() ({
      %run_scoped3A_14 = tpu.sem_alloc : memref<!tpu.dma_semaphore, #tpu.memory_space<semaphore_mem>>
      %dma_start3A = arith.constant 0 : i32
      %dma_start3A_15 = tpu.memref_slice %arg3[%run_scoped3A, %mul3A_4, %dma_start3A] : memref<2x2528x128xi32, #tpu.memory_space<hbm>> -> memref<1x79x128xi32, #tpu.memory_space<hbm>>
      %dma_start3A_16 = tpu.memref_squeeze %dma_start3A_15 : memref<1x79x128xi32, #tpu.memory_space<hbm>> -> memref<79x128xi32, #tpu.memory_space<hbm>>
      %dma_start3A_17 = arith.constant 0 : i32
      %dma_start3A_18 = tpu.memref_slice %arg3[%run_scoped3A, %mul3A_4, %dma_start3A_17] : memref<2x2528x128xi32, #tpu.memory_space<hbm>> -> memref<1x79x128xi32, #tpu.memory_space<hbm>>
      %dma_start3A_19 = tpu.memref_squeeze %dma_start3A_18 : memref<1x79x128xi32, #tpu.memory_space<hbm>> -> memref<79x128xi32, #tpu.memory_space<hbm>>
      tpu.enqueue_dma source(%dma_start3A_19 : memref<79x128xi32, #tpu.memory_space<hbm>>) target(%arg6 : memref<79x128xi32, #tpu.memory_space<vmem>>) target_semaphore(%run_scoped3A_14 : memref<!tpu.dma_semaphore, #tpu.memory_space<semaphore_mem>>)
      %dma_wait3A = arith.constant 0 : i32
      %dma_wait3A_20 = tpu.memref_slice %arg3[%run_scoped3A, %mul3A_4, %dma_wait3A] : memref<2x2528x128xi32, #tpu.memory_space<hbm>> -> memref<1x79x128xi32, #tpu.memory_space<hbm>>
      %dma_wait3A_21 = tpu.memref_squeeze %dma_wait3A_20 : memref<1x79x128xi32, #tpu.memory_space<hbm>> -> memref<79x128xi32, #tpu.memory_space<hbm>>
      %dma_wait3A_22 = arith.constant 0 : i32
      %dma_wait3A_23 = tpu.memref_slice %arg3[%run_scoped3A, %mul3A_4, %dma_wait3A_22] : memref<2x2528x128xi32, #tpu.memory_space<hbm>> -> memref<1x79x128xi32, #tpu.memory_space<hbm>>
      %dma_wait3A_24 = tpu.memref_squeeze %dma_wait3A_23 : memref<1x79x128xi32, #tpu.memory_space<hbm>> -> memref<79x128xi32, #tpu.memory_space<hbm>>
      tpu.wait_dma2 semaphore(%run_scoped3A_14 : memref<!tpu.dma_semaphore, #tpu.memory_space<semaphore_mem>>) src(%dma_wait3A_24 : memref<79x128xi32, #tpu.memory_space<hbm>>) dst(%arg6 : memref<79x128xi32, #tpu.memory_space<vmem>>)
      tpu.yield
    }) : () -> ()
    %mul3A_5 = arith.constant 79 : i32
    %mul3A_6 = arith.muli %add3A, %mul3A_5 : i32
    %run_scoped3A_7 = arith.constant 1 : i32
    "tpu.region"() ({
      %run_scoped3A_14 = tpu.sem_alloc : memref<!tpu.dma_semaphore, #tpu.memory_space<semaphore_mem>>
      %dma_start3A = arith.constant 0 : i32
      %dma_start3A_15 = tpu.memref_slice %arg3[%run_scoped3A_7, %mul3A_6, %dma_start3A] : memref<2x2528x128xi32, #tpu.memory_space<hbm>> -> memref<1x79x128xi32, #tpu.memory_space<hbm>>
      %dma_start3A_16 = tpu.memref_squeeze %dma_start3A_15 : memref<1x79x128xi32, #tpu.memory_space<hbm>> -> memref<79x128xi32, #tpu.memory_space<hbm>>
      %dma_start3A_17 = arith.constant 0 : i32
      %dma_start3A_18 = tpu.memref_slice %arg3[%run_scoped3A_7, %mul3A_6, %dma_start3A_17] : memref<2x2528x128xi32, #tpu.memory_space<hbm>> -> memref<1x79x128xi32, #tpu.memory_space<hbm>>
      %dma_start3A_19 = tpu.memref_squeeze %dma_start3A_18 : memref<1x79x128xi32, #tpu.memory_space<hbm>> -> memref<79x128xi32, #tpu.memory_space<hbm>>
      tpu.enqueue_dma source(%dma_start3A_19 : memref<79x128xi32, #tpu.memory_space<hbm>>) target(%arg7 : memref<79x128xi32, #tpu.memory_space<vmem>>) target_semaphore(%run_scoped3A_14 : memref<!tpu.dma_semaphore, #tpu.memory_space<semaphore_mem>>)
      %dma_wait3A = arith.constant 0 : i32
      %dma_wait3A_20 = tpu.memref_slice %arg3[%run_scoped3A_7, %mul3A_6, %dma_wait3A] : memref<2x2528x128xi32, #tpu.memory_space<hbm>> -> memref<1x79x128xi32, #tpu.memory_space<hbm>>
      %dma_wait3A_21 = tpu.memref_squeeze %dma_wait3A_20 : memref<1x79x128xi32, #tpu.memory_space<hbm>> -> memref<79x128xi32, #tpu.memory_space<hbm>>
      %dma_wait3A_22 = arith.constant 0 : i32
      %dma_wait3A_23 = tpu.memref_slice %arg3[%run_scoped3A_7, %mul3A_6, %dma_wait3A_22] : memref<2x2528x128xi32, #tpu.memory_space<hbm>> -> memref<1x79x128xi32, #tpu.memory_space<hbm>>
      %dma_wait3A_24 = tpu.memref_squeeze %dma_wait3A_23 : memref<1x79x128xi32, #tpu.memory_space<hbm>> -> memref<79x128xi32, #tpu.memory_space<hbm>>
      tpu.wait_dma2 semaphore(%run_scoped3A_14 : memref<!tpu.dma_semaphore, #tpu.memory_space<semaphore_mem>>) src(%dma_wait3A_24 : memref<79x128xi32, #tpu.memory_space<hbm>>) dst(%arg7 : memref<79x128xi32, #tpu.memory_space<vmem>>)
      tpu.yield
    }) : () -> ()
    %barrier3A = arith.constant 0 : index
    tpu.barrier barrier_id(%barrier3A)
    %scan3A = arith.constant 0 : i32
    %scan3A_8 = arith.constant 0 : i32
    %scan3A_9 = arith.constant 79 : i32
    %scan3A_10 = arith.addi %scan3A_8, %scan3A_9 : i32
    %scan3A_11 = arith.constant 1 : i32
    scf.for %scan3A_14 = %scan3A_8 to %scan3A_10 step %scan3A_11  : i32 {
      "tpu.region"() ({
        %run_scoped3A_15 = tpu.sem_alloc : memref<!tpu.dma_semaphore, #tpu.memory_space<semaphore_mem>>
        %dma_start3A = arith.constant 0 : i32
        %dma_start3A_16 = tpu.memref_slice %arg6[%scan3A_14, %dma_start3A] : memref<79x128xi32, #tpu.memory_space<vmem>> -> memref<1x128xi32, #tpu.memory_space<vmem>>
        %dma_start3A_17 = tpu.memref_squeeze %dma_start3A_16 : memref<1x128xi32, #tpu.memory_space<vmem>> -> memref<128xi32, #tpu.memory_space<vmem>>
        %dma_start3A_18 = arith.constant 0 : i32
        %dma_start3A_19 = arith.constant 0 : i32
        %dma_start3A_20 = tpu.memref_slice %arg9[%dma_start3A_18, %dma_start3A_19] : memref<10240x64xf32, #tpu.memory_space<vmem_shared>> -> memref<10240x64xf32, #tpu.memory_space<vmem_shared>>
        tpu.enqueue_indirect_dma source(%dma_start3A_20 : memref<10240x64xf32, #tpu.memory_space<vmem_shared>>) target(%arg8 : memref<128x64xf32, #tpu.memory_space<vmem>>) offsets(%dma_start3A_17 : memref<128xi32, #tpu.memory_space<vmem>>) semaphore(%run_scoped3A_15 : memref<!tpu.dma_semaphore, #tpu.memory_space<semaphore_mem>>)
        %dma_wait3A = arith.constant 0 : i32
        %dma_wait3A_21 = tpu.memref_slice %arg6[%scan3A_14, %dma_wait3A] : memref<79x128xi32, #tpu.memory_space<vmem>> -> memref<1x128xi32, #tpu.memory_space<vmem>>
        %dma_wait3A_22 = tpu.memref_squeeze %dma_wait3A_21 : memref<1x128xi32, #tpu.memory_space<vmem>> -> memref<128xi32, #tpu.memory_space<vmem>>
        %dma_wait3A_23 = arith.constant 0 : i32
        %dma_wait3A_24 = arith.constant 0 : i32
        %dma_wait3A_25 = tpu.memref_slice %arg9[%dma_wait3A_23, %dma_wait3A_24] : memref<10240x64xf32, #tpu.memory_space<vmem_shared>> -> memref<10240x64xf32, #tpu.memory_space<vmem_shared>>
        tpu.wait_indirect_dma semaphore(%run_scoped3A_15 : memref<!tpu.dma_semaphore, #tpu.memory_space<semaphore_mem>>) src(%dma_wait3A_25 : memref<10240x64xf32, #tpu.memory_space<vmem_shared>>) dst(%arg8 : memref<128x64xf32, #tpu.memory_space<vmem>>)
        tpu.yield
      }) : () -> ()
      "tpu.region"() ({
        %run_scoped3A_15 = tpu.sem_alloc : memref<!tpu.dma_semaphore, #tpu.memory_space<semaphore_mem>>
        %dma_start3A = arith.constant 0 : i32
        %dma_start3A_16 = tpu.memref_slice %arg7[%scan3A_14, %dma_start3A] : memref<79x128xi32, #tpu.memory_space<vmem>> -> memref<1x128xi32, #tpu.memory_space<vmem>>
        %dma_start3A_17 = tpu.memref_squeeze %dma_start3A_16 : memref<1x128xi32, #tpu.memory_space<vmem>> -> memref<128xi32, #tpu.memory_space<vmem>>
        %dma_start3A_18 = arith.constant 0 : i32
        %dma_start3A_19 = arith.constant 0 : i32
        %dma_start3A_20 = tpu.memref_slice %arg10[%dma_start3A_18, %dma_start3A_19] : memref<10240x64xf32, #tpu.memory_space<vmem_shared>> -> memref<10240x64xf32, #tpu.memory_space<vmem_shared>>
        tpu.enqueue_indirect_dma source(%arg8 : memref<128x64xf32, #tpu.memory_space<vmem>>) target(%dma_start3A_20 : memref<10240x64xf32, #tpu.memory_space<vmem_shared>>) offsets(%dma_start3A_17 : memref<128xi32, #tpu.memory_space<vmem>>) semaphore(%run_scoped3A_15 : memref<!tpu.dma_semaphore, #tpu.memory_space<semaphore_mem>>) {add = true}
        %dma_wait3A = arith.constant 0 : i32
        %dma_wait3A_21 = tpu.memref_slice %arg7[%scan3A_14, %dma_wait3A] : memref<79x128xi32, #tpu.memory_space<vmem>> -> memref<1x128xi32, #tpu.memory_space<vmem>>
        %dma_wait3A_22 = tpu.memref_squeeze %dma_wait3A_21 : memref<1x128xi32, #tpu.memory_space<vmem>> -> memref<128xi32, #tpu.memory_space<vmem>>
        %dma_wait3A_23 = arith.constant 0 : i32
        %dma_wait3A_24 = arith.constant 0 : i32
        %dma_wait3A_25 = tpu.memref_slice %arg10[%dma_wait3A_23, %dma_wait3A_24] : memref<10240x64xf32, #tpu.memory_space<vmem_shared>> -> memref<10240x64xf32, #tpu.memory_space<vmem_shared>>
        tpu.wait_indirect_dma semaphore(%run_scoped3A_15 : memref<!tpu.dma_semaphore, #tpu.memory_space<semaphore_mem>>) src(%arg8 : memref<128x64xf32, #tpu.memory_space<vmem>>) dst(%dma_wait3A_25 : memref<10240x64xf32, #tpu.memory_space<vmem_shared>>)
        tpu.yield
      }) : () -> ()
    }
    %scan3A_12 = arith.constant 79 : i32
    %barrier3A_13 = arith.constant 0 : index
    tpu.barrier barrier_id(%barrier3A_13)
    "tpu.region"() ({
      %run_scoped3A_14 = tpu.sem_alloc : memref<!tpu.dma_semaphore, #tpu.memory_space<semaphore_mem>>
      %dma_start3A = arith.constant 0 : i32
      %dma_start3A_15 = tpu.memref_slice %arg5[%arg0, %mul3A_2, %dma_start3A] : memref<2x10240x64xf32, #tpu.memory_space<hbm>> -> memref<1x640x64xf32, #tpu.memory_space<hbm>>
      %dma_start3A_16 = tpu.memref_squeeze %dma_start3A_15 : memref<1x640x64xf32, #tpu.memory_space<hbm>> -> memref<640x64xf32, #tpu.memory_space<hbm>>
      %dma_start3A_17 = arith.constant 0 : i32
      %dma_start3A_18 = tpu.memref_slice %arg10[%mul3A_2, %dma_start3A_17] : memref<10240x64xf32, #tpu.memory_space<vmem_shared>> -> memref<640x64xf32, #tpu.memory_space<vmem_shared>>
      tpu.enqueue_dma source(%dma_start3A_18 : memref<640x64xf32, #tpu.memory_space<vmem_shared>>) target(%dma_start3A_16 : memref<640x64xf32, #tpu.memory_space<hbm>>) target_semaphore(%run_scoped3A_14 : memref<!tpu.dma_semaphore, #tpu.memory_space<semaphore_mem>>)
      %dma_wait3A = arith.constant 0 : i32
      %dma_wait3A_19 = tpu.memref_slice %arg5[%arg0, %mul3A_2, %dma_wait3A] : memref<2x10240x64xf32, #tpu.memory_space<hbm>> -> memref<1x640x64xf32, #tpu.memory_space<hbm>>
      %dma_wait3A_20 = tpu.memref_squeeze %dma_wait3A_19 : memref<1x640x64xf32, #tpu.memory_space<hbm>> -> memref<640x64xf32, #tpu.memory_space<hbm>>
      %dma_wait3A_21 = arith.constant 0 : i32
      %dma_wait3A_22 = tpu.memref_slice %arg10[%mul3A_2, %dma_wait3A_21] : memref<10240x64xf32, #tpu.memory_space<vmem_shared>> -> memref<640x64xf32, #tpu.memory_space<vmem_shared>>
      tpu.wait_dma2 semaphore(%run_scoped3A_14 : memref<!tpu.dma_semaphore, #tpu.memory_space<semaphore_mem>>) src(%dma_wait3A_22 : memref<640x64xf32, #tpu.memory_space<vmem_shared>>) dst(%dma_wait3A_20 : memref<640x64xf32, #tpu.memory_space<hbm>>)
      tpu.yield
    }) : () -> ()
    return
  }
}

module attributes {stable_mosaic.version = 14 : i64} {
  func.func @_tc_project_body(%arg0: i32, %arg1: memref<2048x128xf32, #tpu.memory_space<vmem>>, %arg2: memref<128x64xf32, #tpu.memory_space<vmem>>, %arg3: memref<1x2048x16xf32, #tpu.memory_space<vmem>>, %arg4: memref<1x2048x16xf32, #tpu.memory_space<vmem>>, %arg5: memref<2048x64xf32, #tpu.memory_space<vmem>>) attributes {dimension_semantics = [#tpu.dimension_semantics<arbitrary>], iteration_bounds = array<i64: 5>, scalar_prefetch = 0 : i64, scratch_operands = 0 : i64, tpu.core_type = #tpu.core_type<tc>, window_params = [{transform_indices = @transform_0, window_bounds = array<i64: 2048, 128>}, {pipeline_mode = #tpu.pipeline_mode<synchronous>, transform_indices = @transform_1, window_bounds = array<i64: 128, 64>}, {transform_indices = @transform_2, window_bounds = array<i64: 1, 2048, 16>}, {transform_indices = @transform_3, window_bounds = array<i64: 1, 2048, 16>}, {transform_indices = @transform_4, window_bounds = array<i64: 2048, 64>}]} {
    %get3A = arith.constant 0 : index
    %get3A_0 = arith.constant 0 : index
    %get3A_1 = vector.load %arg1[%get3A, %get3A_0] : memref<2048x128xf32, #tpu.memory_space<vmem>>, vector<2048x128xf32>
    %get3A_2 = arith.constant 0 : index
    %get3A_3 = arith.constant 0 : index
    %get3A_4 = vector.load %arg2[%get3A_2, %get3A_3] : memref<128x64xf32, #tpu.memory_space<vmem>>, vector<128x64xf32>
    %dot_general3A = arith.constant dense<0.000000e+00> : vector<2048x64xf32>
    %dot_general3A_5 = tpu.matmul %get3A_1, %get3A_4, %dot_general3A {dimension_numbers = #tpu.dot_dimension_numbers<[1], [0], [0], [1], [0, 0, 1, 1], [], []>, transpose_lhs_hint = false} : vector<2048x128xf32>, vector<128x64xf32>, vector<2048x64xf32> -> vector<2048x64xf32>
    %get3A_6 = arith.constant 0 : index
    %get3A_7 = arith.constant 0 : index
    %get3A_8 = arith.constant 0 : index
    %get3A_9 = vector.load %arg3[%get3A_6, %get3A_7, %get3A_8] : memref<1x2048x16xf32, #tpu.memory_space<vmem>>, vector<1x2048x1xf32>
    %get3A_10 = vector.shape_cast %get3A_9 : vector<1x2048x1xf32> to vector<2048x1xf32>
    %get3A_11 = arith.constant 0 : index
    %get3A_12 = arith.constant 0 : index
    %get3A_13 = arith.constant 0 : index
    %get3A_14 = vector.load %arg4[%get3A_11, %get3A_12, %get3A_13] : memref<1x2048x16xf32, #tpu.memory_space<vmem>>, vector<1x2048x1xf32>
    %get3A_15 = vector.shape_cast %get3A_14 : vector<1x2048x1xf32> to vector<2048x1xf32>
    %add3A = arith.addf %get3A_10, %get3A_15 : vector<2048x1xf32>
    %add3A_16 = arith.constant 1.000000e+00 : f32
    %add3A_17 = vector.broadcast %add3A_16 : f32 to vector<2048x1xf32>
    %add3A_18 = arith.addf %add3A, %add3A_17 : vector<2048x1xf32>
    %rsqrt3A = math.rsqrt %add3A_18 : vector<2048x1xf32>
    %iota3A = tpu.iota {dimensions = array<i32: 1>} : vector<2048x64xi32>
    %lt3A = arith.constant 16 : i32
    %lt3A_19 = vector.broadcast %lt3A : i32 to vector<2048x64xi32>
    %lt3A_20 = arith.cmpi slt, %iota3A, %lt3A_19 : vector<2048x64xi32>
    %mul3A = vector.broadcast %rsqrt3A : vector<2048x1xf32> to vector<2048x64xf32>
    %mul3A_21 = arith.mulf %dot_general3A_5, %mul3A : vector<2048x64xf32>
    %select_n3A = arith.select %lt3A_20, %mul3A_21, %dot_general3A_5 : vector<2048x64xi1>, vector<2048x64xf32>
    %swap3A = arith.constant 0 : index
    %swap3A_22 = arith.constant 0 : index
    %swap3A_23 = vector.load %arg5[%swap3A, %swap3A_22] : memref<2048x64xf32, #tpu.memory_space<vmem>>, vector<2048x64xf32>
    tpu.vector_store %arg5[%swap3A, %swap3A_22], %select_n3A {strides = array<i32>} : memref<2048x64xf32, #tpu.memory_space<vmem>>, vector<2048x64xf32>,
    return
  }
  func.func @transform_0(%arg0: i32) -> (i32, i32) {
    %c0_i32 = arith.constant 0 : i32
    %c0_i32_0 = arith.constant 0 : i32
    return %arg0, %c0_i32 : i32, i32
  }
  func.func @transform_1(%arg0: i32) -> (i32, i32) {
    %c0_i32 = arith.constant 0 : i32
    %c0_i32_0 = arith.constant 0 : i32
    %c0_i32_1 = arith.constant 0 : i32
    return %c0_i32, %c0_i32_0 : i32, i32
  }
  func.func @transform_2(%arg0: i32) -> (i32, i32, i32) {
    %c0_i32 = arith.constant 0 : i32
    %c0_i32_0 = arith.constant 0 : i32
    %c0_i32_1 = arith.constant 0 : i32
    return %c0_i32, %arg0, %c0_i32_0 : i32, i32, i32
  }
  func.func @transform_3(%arg0: i32) -> (i32, i32, i32) {
    %c1_i32 = arith.constant 1 : i32
    %c0_i32 = arith.constant 0 : i32
    %c0_i32_0 = arith.constant 0 : i32
    return %c1_i32, %arg0, %c0_i32 : i32, i32, i32
  }
  func.func @transform_4(%arg0: i32) -> (i32, i32) {
    %c0_i32 = arith.constant 0 : i32
    %c0_i32_0 = arith.constant 0 : i32
    return %arg0, %c0_i32 : i32, i32
  }
}

module attributes {stable_mosaic.version = 14 : i64} {
  func.func @_tc_combine_body(%arg0: i32, %arg1: memref<2000x128xf32, #tpu.memory_space<vmem>>, %arg2: memref<1x2000x64xf32, #tpu.memory_space<vmem>>, %arg3: memref<1x2000x64xf32, #tpu.memory_space<vmem>>, %arg4: memref<2000x64xf32, #tpu.memory_space<vmem>>, %arg5: memref<1x2000x16xf32, #tpu.memory_space<vmem>>, %arg6: memref<1x2000x16xf32, #tpu.memory_space<vmem>>, %arg7: memref<128x32xf32, #tpu.memory_space<vmem>>, %arg8: memref<1x64xf32, #tpu.memory_space<vmem>>, %arg9: memref<64x16xf32, #tpu.memory_space<vmem>>, %arg10: memref<1x16xf32, #tpu.memory_space<vmem>>, %arg11: memref<2000x16xf32, #tpu.memory_space<vmem>>) attributes {dimension_semantics = [#tpu.dimension_semantics<arbitrary>], iteration_bounds = array<i64: 5>, scalar_prefetch = 0 : i64, scratch_operands = 0 : i64, tpu.core_type = #tpu.core_type<tc>, window_params = [{transform_indices = @transform_0, window_bounds = array<i64: 2000, 128>}, {transform_indices = @transform_1, window_bounds = array<i64: 1, 2000, 64>}, {transform_indices = @transform_2, window_bounds = array<i64: 1, 2000, 64>}, {transform_indices = @transform_3, window_bounds = array<i64: 2000, 64>}, {transform_indices = @transform_4, window_bounds = array<i64: 1, 2000, 16>}, {transform_indices = @transform_5, window_bounds = array<i64: 1, 2000, 16>}, {pipeline_mode = #tpu.pipeline_mode<synchronous>, transform_indices = @transform_6, window_bounds = array<i64: 128, 32>}, {pipeline_mode = #tpu.pipeline_mode<synchronous>, transform_indices = @transform_7, window_bounds = array<i64: 1, 64>}, {pipeline_mode = #tpu.pipeline_mode<synchronous>, transform_indices = @transform_8, window_bounds = array<i64: 64, 16>}, {pipeline_mode = #tpu.pipeline_mode<synchronous>, transform_indices = @transform_9, window_bounds = array<i64: 1, 16>}, {transform_indices = @transform_10, window_bounds = array<i64: 2000, 16>}]} {
    %get3A = arith.constant 0 : index
    %get3A_0 = arith.constant 0 : index
    %get3A_1 = arith.constant 0 : index
    %get3A_2 = vector.load %arg2[%get3A, %get3A_0, %get3A_1] : memref<1x2000x64xf32, #tpu.memory_space<vmem>>, vector<1x2000x64xf32>
    %get3A_3 = vector.shape_cast %get3A_2 : vector<1x2000x64xf32> to vector<2000x64xf32>
    %get3A_4 = arith.constant 0 : index
    %get3A_5 = arith.constant 0 : index
    %get3A_6 = arith.constant 0 : index
    %get3A_7 = vector.load %arg3[%get3A_4, %get3A_5, %get3A_6] : memref<1x2000x64xf32, #tpu.memory_space<vmem>>, vector<1x2000x64xf32>
    %get3A_8 = vector.shape_cast %get3A_7 : vector<1x2000x64xf32> to vector<2000x64xf32>
    %add3A = arith.addf %get3A_3, %get3A_8 : vector<2000x64xf32>
    %get3A_9 = arith.constant 0 : index
    %get3A_10 = arith.constant 0 : index
    %get3A_11 = vector.load %arg4[%get3A_9, %get3A_10] : memref<2000x64xf32, #tpu.memory_space<vmem>>, vector<2000x64xf32>
    %get3A_12 = arith.constant 0 : index
    %get3A_13 = arith.constant 0 : index
    %get3A_14 = arith.constant 0 : index
    %get3A_15 = vector.load %arg5[%get3A_12, %get3A_13, %get3A_14] : memref<1x2000x16xf32, #tpu.memory_space<vmem>>, vector<1x2000x1xf32>
    %get3A_16 = vector.shape_cast %get3A_15 : vector<1x2000x1xf32> to vector<2000x1xf32>
    %get3A_17 = arith.constant 0 : index
    %get3A_18 = arith.constant 0 : index
    %get3A_19 = arith.constant 0 : index
    %get3A_20 = vector.load %arg6[%get3A_17, %get3A_18, %get3A_19] : memref<1x2000x16xf32, #tpu.memory_space<vmem>>, vector<1x2000x1xf32>
    %get3A_21 = vector.shape_cast %get3A_20 : vector<1x2000x1xf32> to vector<2000x1xf32>
    %add3A_22 = arith.addf %get3A_16, %get3A_21 : vector<2000x1xf32>
    %add3A_23 = arith.constant 1.000000e+00 : f32
    %add3A_24 = vector.broadcast %add3A_23 : f32 to vector<2000x1xf32>
    %add3A_25 = arith.addf %add3A_22, %add3A_24 : vector<2000x1xf32>
    %rsqrt3A = math.rsqrt %add3A_25 : vector<2000x1xf32>
    %get3A_26 = arith.constant 0 : index
    %get3A_27 = arith.constant 0 : index
    %get3A_28 = vector.load %arg1[%get3A_26, %get3A_27] : memref<2000x128xf32, #tpu.memory_space<vmem>>, vector<2000x128xf32>
    %get3A_29 = arith.constant 0 : index
    %get3A_30 = arith.constant 0 : index
    %get3A_31 = vector.load %arg7[%get3A_29, %get3A_30] : memref<128x32xf32, #tpu.memory_space<vmem>>, vector<128x32xf32>
    %dot_general3A = arith.constant dense<0.000000e+00> : vector<2000x32xf32>
    %dot_general3A_32 = tpu.matmul %get3A_28, %get3A_31, %dot_general3A {dimension_numbers = #tpu.dot_dimension_numbers<[1], [0], [0], [1], [0, 0, 1, 1], [], []>, transpose_lhs_hint = false} : vector<2000x128xf32>, vector<128x32xf32>, vector<2000x32xf32> -> vector<2000x32xf32>
    %get3A_33 = arith.constant 0 : index
    %get3A_34 = arith.constant 0 : index
    %get3A_35 = vector.load %arg8[%get3A_33, %get3A_34] : memref<1x64xf32, #tpu.memory_space<vmem>>, vector<1x64xf32>
    %slice3A = vector.extract_strided_slice %add3A {offsets = [0, 0], sizes = [2000, 16], strides = [1, 1]} : vector<2000x64xf32> to vector<2000x16xf32>
    %slice3A_36 = vector.extract_strided_slice %get3A_11 {offsets = [0, 0], sizes = [2000, 16], strides = [1, 1]} : vector<2000x64xf32> to vector<2000x16xf32>
    %add3A_37 = arith.addf %slice3A, %slice3A_36 : vector<2000x16xf32>
    %mul3A = vector.broadcast %rsqrt3A : vector<2000x1xf32> to vector<2000x16xf32>
    %mul3A_38 = arith.mulf %mul3A, %add3A_37 : vector<2000x16xf32>
    %slice3A_39 = vector.extract_strided_slice %get3A_35 {offsets = [0, 0], sizes = [1, 16], strides = [1, 1]} : vector<1x64xf32> to vector<1x16xf32>
    %add3A_40 = vector.broadcast %slice3A_39 : vector<1x16xf32> to vector<2000x16xf32>
    %add3A_41 = arith.addf %mul3A_38, %add3A_40 : vector<2000x16xf32>
    %slice3A_42 = vector.extract_strided_slice %add3A {offsets = [0, 16], sizes = [2000, 16], strides = [1, 1]} : vector<2000x64xf32> to vector<2000x16xf32>
    %max3A = arith.constant 1.000000e+00 : f32
    %max3A_43 = vector.broadcast %max3A : f32 to vector<2000x1xf32>
    %max3A_44 = arith.maximumf %add3A_22, %max3A_43 : vector<2000x1xf32>
    %div3A = vector.broadcast %max3A_44 : vector<2000x1xf32> to vector<2000x16xf32>
    %div3A_45 = arith.divf %slice3A_42, %div3A : vector<2000x16xf32>
    %slice3A_46 = vector.extract_strided_slice %get3A_35 {offsets = [0, 16], sizes = [1, 16], strides = [1, 1]} : vector<1x64xf32> to vector<1x16xf32>
    %add3A_47 = vector.broadcast %slice3A_46 : vector<1x16xf32> to vector<2000x16xf32>
    %add3A_48 = arith.addf %div3A_45, %add3A_47 : vector<2000x16xf32>
    %slice3A_49 = vector.extract_strided_slice %dot_general3A_32 {offsets = [0, 0], sizes = [2000, 16], strides = [1, 1]} : vector<2000x32xf32> to vector<2000x16xf32>
    %add3A_50 = arith.addf %add3A_48, %slice3A_49 : vector<2000x16xf32>
    %slice3A_51 = vector.extract_strided_slice %get3A_11 {offsets = [0, 32], sizes = [2000, 16], strides = [1, 1]} : vector<2000x64xf32> to vector<2000x16xf32>
    %slice3A_52 = vector.extract_strided_slice %add3A {offsets = [0, 32], sizes = [2000, 16], strides = [1, 1]} : vector<2000x64xf32> to vector<2000x16xf32>
    %add3A_53 = arith.addf %slice3A_51, %slice3A_52 : vector<2000x16xf32>
    %slice3A_54 = vector.extract_strided_slice %get3A_35 {offsets = [0, 32], sizes = [1, 16], strides = [1, 1]} : vector<1x64xf32> to vector<1x16xf32>
    %add3A_55 = vector.broadcast %slice3A_54 : vector<1x16xf32> to vector<2000x16xf32>
    %add3A_56 = arith.addf %add3A_53, %add3A_55 : vector<2000x16xf32>
    %slice3A_57 = vector.extract_strided_slice %add3A {offsets = [0, 48], sizes = [2000, 16], strides = [1, 1]} : vector<2000x64xf32> to vector<2000x16xf32>
    %slice3A_58 = vector.extract_strided_slice %get3A_35 {offsets = [0, 48], sizes = [1, 16], strides = [1, 1]} : vector<1x64xf32> to vector<1x16xf32>
    %add3A_59 = vector.broadcast %slice3A_58 : vector<1x16xf32> to vector<2000x16xf32>
    %add3A_60 = arith.addf %slice3A_57, %add3A_59 : vector<2000x16xf32>
    %slice3A_61 = vector.extract_strided_slice %dot_general3A_32 {offsets = [0, 16], sizes = [2000, 16], strides = [1, 1]} : vector<2000x32xf32> to vector<2000x16xf32>
    %add3A_62 = arith.addf %add3A_60, %slice3A_61 : vector<2000x16xf32>
    %max3A_63 = arith.constant 0.000000e+00 : f32
    %max3A_64 = vector.broadcast %max3A_63 : f32 to vector<2000x16xf32>
    %max3A_65 = arith.maximumf %add3A_41, %max3A_64 : vector<2000x16xf32>
    %max3A_66 = arith.constant 0.000000e+00 : f32
    %max3A_67 = vector.broadcast %max3A_66 : f32 to vector<2000x16xf32>
    %max3A_68 = arith.maximumf %add3A_50, %max3A_67 : vector<2000x16xf32>
    %max3A_69 = arith.constant 0.000000e+00 : f32
    %max3A_70 = vector.broadcast %max3A_69 : f32 to vector<2000x16xf32>
    %max3A_71 = arith.maximumf %add3A_56, %max3A_70 : vector<2000x16xf32>
    %max3A_72 = arith.constant 0.000000e+00 : f32
    %max3A_73 = vector.broadcast %max3A_72 : f32 to vector<2000x16xf32>
    %max3A_74 = arith.maximumf %add3A_62, %max3A_73 : vector<2000x16xf32>
    %concatenate3A = tpu.concatenate %max3A_65, %max3A_68, %max3A_71, %max3A_74 in 1 : vector<2000x16xf32>, vector<2000x16xf32>, vector<2000x16xf32>, vector<2000x16xf32> -> vector<2000x64xf32>
    %get3A_75 = arith.constant 0 : index
    %get3A_76 = arith.constant 0 : index
    %get3A_77 = vector.load %arg9[%get3A_75, %get3A_76] : memref<64x16xf32, #tpu.memory_space<vmem>>, vector<64x16xf32>
    %dot_general3A_78 = arith.constant dense<0.000000e+00> : vector<2000x16xf32>
    %dot_general3A_79 = tpu.matmul %concatenate3A, %get3A_77, %dot_general3A_78 {dimension_numbers = #tpu.dot_dimension_numbers<[1], [0], [0], [1], [0, 0, 1, 1], [], []>, transpose_lhs_hint = false} : vector<2000x64xf32>, vector<64x16xf32>, vector<2000x16xf32> -> vector<2000x16xf32>
    %get3A_80 = arith.constant 0 : index
    %get3A_81 = arith.constant 0 : index
    %get3A_82 = vector.load %arg10[%get3A_80, %get3A_81] : memref<1x16xf32, #tpu.memory_space<vmem>>, vector<1x16xf32>
    %add3A_83 = vector.broadcast %get3A_82 : vector<1x16xf32> to vector<2000x16xf32>
    %add3A_84 = arith.addf %dot_general3A_79, %add3A_83 : vector<2000x16xf32>
    %logistic3A = arith.negf %add3A_84 : vector<2000x16xf32>
    %logistic3A_85 = math.exp %logistic3A : vector<2000x16xf32>
    %logistic3A_86 = arith.constant 1.000000e+00 : f32
    %logistic3A_87 = vector.broadcast %logistic3A_86 : f32 to vector<2000x16xf32>
    %logistic3A_88 = arith.addf %logistic3A_87, %logistic3A_85 : vector<2000x16xf32>
    %logistic3A_89 = arith.divf %logistic3A_87, %logistic3A_88 : vector<2000x16xf32>
    %swap3A = arith.constant 0 : index
    %swap3A_90 = arith.constant 0 : index
    %swap3A_91 = vector.load %arg11[%swap3A, %swap3A_90] : memref<2000x16xf32, #tpu.memory_space<vmem>>, vector<2000x16xf32>
    tpu.vector_store %arg11[%swap3A, %swap3A_90], %logistic3A_89 {strides = array<i32>} : memref<2000x16xf32, #tpu.memory_space<vmem>>, vector<2000x16xf32>,
    return
  }
  func.func @transform_0(%arg0: i32) -> (i32, i32) {
    %c0_i32 = arith.constant 0 : i32
    %c0_i32_0 = arith.constant 0 : i32
    return %arg0, %c0_i32 : i32, i32
  }
  func.func @transform_1(%arg0: i32) -> (i32, i32, i32) {
    %c0_i32 = arith.constant 0 : i32
    %c0_i32_0 = arith.constant 0 : i32
    %c0_i32_1 = arith.constant 0 : i32
    return %c0_i32, %arg0, %c0_i32_0 : i32, i32, i32
  }
  func.func @transform_2(%arg0: i32) -> (i32, i32, i32) {
    %c1_i32 = arith.constant 1 : i32
    %c0_i32 = arith.constant 0 : i32
    %c0_i32_0 = arith.constant 0 : i32
    return %c1_i32, %arg0, %c0_i32 : i32, i32, i32
  }
  func.func @transform_3(%arg0: i32) -> (i32, i32) {
    %c0_i32 = arith.constant 0 : i32
    %c0_i32_0 = arith.constant 0 : i32
    return %arg0, %c0_i32 : i32, i32
  }
  func.func @transform_4(%arg0: i32) -> (i32, i32, i32) {
    %c0_i32 = arith.constant 0 : i32
    %c0_i32_0 = arith.constant 0 : i32
    %c0_i32_1 = arith.constant 0 : i32
    return %c0_i32, %arg0, %c0_i32_0 : i32, i32, i32
  }
  func.func @transform_5(%arg0: i32) -> (i32, i32, i32) {
    %c1_i32 = arith.constant 1 : i32
    %c0_i32 = arith.constant 0 : i32
    %c0_i32_0 = arith.constant 0 : i32
    return %c1_i32, %arg0, %c0_i32 : i32, i32, i32
  }
  func.func @transform_6(%arg0: i32) -> (i32, i32) {
    %c0_i32 = arith.constant 0 : i32
    %c0_i32_0 = arith.constant 0 : i32
    %c0_i32_1 = arith.constant 0 : i32
    return %c0_i32, %c0_i32_0 : i32, i32
  }
  func.func @transform_7(%arg0: i32) -> (i32, i32) {
    %c0_i32 = arith.constant 0 : i32
    %c0_i32_0 = arith.constant 0 : i32
    %c0_i32_1 = arith.constant 0 : i32
    return %c0_i32, %c0_i32_0 : i32, i32
  }
  func.func @transform_8(%arg0: i32) -> (i32, i32) {
    %c0_i32 = arith.constant 0 : i32
    %c0_i32_0 = arith.constant 0 : i32
    %c0_i32_1 = arith.constant 0 : i32
    return %c0_i32, %c0_i32_0 : i32, i32
  }
  func.func @transform_9(%arg0: i32) -> (i32, i32) {
    %c0_i32 = arith.constant 0 : i32
    %c0_i32_0 = arith.constant 0 : i32
    %c0_i32_1 = arith.constant 0 : i32
    return %c0_i32, %c0_i32_0 : i32, i32
  }
  func.func @transform_10(%arg0: i32) -> (i32, i32) {
    %c0_i32 = arith.constant 0 : i32
    %c0_i32_0 = arith.constant 0 : i32
    return %arg0, %c0_i32 : i32, i32
  }
}

</mosaic_0001>

<sc_bundles>
// kernel: kernel.6.cloned.1.call-start
scs
__scs_entry_jumppad:
0x0: {  	(pc) =	sbr.rel $0x88, $3  }
0x1: {  	(tag) =	ssettag $0x0;
	lr =	simm.s32 $0x1  }
0x2: {  	[smem:$0x3F93] =	sst lr;
	_ =	strace $0xD0000000  }
0x3: {  	_ = 	snop  }
0x4: {  	_ = 	snop  }
0x5: {  	_ = 	snop  }
0x6: {  	_ = 	snop  }
0x7: {  	_ = 	snop  }
__scs_overlays_trampoline_lowered:
0x8: {  	[smem:$0x3FA2] =	sst s0  }
0x9: {  	[smem:$0x3FA3] =	sst s1  }
0xa: {  	[smem:$0x3FA4] =	sst s2  }
0xb: {  	[smem:$0x3FA5] =	sst s3  }
0xc: {  	[smem:$0x3FA6] =	sst s4  }
0xd: {  	[smem:$0x3FA7] =	sst s5  }
0xe: {  	[smem:$0x3FA8] =	sst s6  }
0xf: {  	[smem:$0x3FA9] =	sst s7  }
0x10: {  	[smem:$0x3FAA] =	sst s8  }
0x11: {  	[smem:$0x3FAB] =	sst s9;
	s0 =	simm.s32 @!p0 $0x0  }
0x12: {  	s1 =	sld [smem:$0x3F91];
	s0 =	simm.s32 @p0 $0x1  }
0x13: {  	[smem:$0x3FAC] =	sst s0;
	s0 =	simm.s32 @!p1 $0x0  }
0x14: {  	s2 =	sld [smem:$0x3F90];
	s0 =	simm.s32 @p1 $0x1  }
0x15: {  	[smem:$0x3FAD] =	sst s0;
	s0 =	simm.s32 @!p2 $0x0  }
0x16: {  	s3 =	sld [smem:$0x3FDB];
	s0 =	simm.s32 @p2 $0x1  }
0x17: {  	s4 =	simm.s32 $0x1BF5;
	[smem:$0x3FAF] =	sst s0  }
0x18: {  	s0 =	sld [smem:$0x3F92];
	_ =	swait.ge [sflag:s4], $0x0  }
0x19: {  	s7 =	sld [smem:$0x3F93]  }
0x1a: {  	s8 =	sadd.s32 $0xFFFFE003, lr  }
0x1b: {  	s9 =	sadd.s32 $0xFFFFFEF7, lr;
	s5 =	simm.s32 $0xFFFFFFFF;
	p2 =	slt.u32 s8, $0xFFFFF086  }
0x1c: {  	p1 =	slt.u32 s9, $0xF7A;
	s5 =	simm.s32 @!p2 $0x0  }
0x1d: {  	s5 =	simm.s32 @p1 $0x1;
	p0 =	seq.s32 s7, s2  }
0x1e: {  	s7 =	smul.u32 @!p0 $0xF7A, s2;
	p2 =	seq.s32 @!p0 s5, $0x0  }
0x1f: {  	s9 =	smul.u32 $0xF7A, s1;
	s8 =	simm.s32 @!p0 $0x1BF5;
	p2 =	por !p2, p0  }
0x20: {  	[sflag:s8] =	ssyncset.s32 @!p0 $0xFFFFF086;
	s6 =	sadd.s32 @!p0 s3, s7;
	s7 =	simm.s32 @!p0 $0x108  }
0x21: {  	s3 =	sadd.s32 s3, s9;
	s6 =	sadd.s32 @!p0 $0x88, s6;
	s7 =	simm.s32 @p2 $0x1082  }
0x22: {  	[simem:s7], [sflag:s8] =	dma.local @!p0 [hbm:s6], $0xF7A  }
0x23: {  	s9 =	sor.u32 $0xD0000000, s2;
	s6 =	simm.s32 $0x108;
	_ =	swait.ge @!p0 [sflag:s8], $0x0  }
0x24: {  	s3 =	sadd.s32 $0x88, s3;
	s6 =	simm.s32 @!p1 $0x1082;
	[sflag:s4] =	ssyncset.s32 $0xFFFFF086  }
0x25: {  	[simem:s6], [sflag:s4] =	dma.local [hbm:s3], $0xF7A  }
0x26: {  	[smem:$0x3F93] =	sst s1;
	(tag) =	ssettag s2;
	_ =	strace s9  }
0x27: {  	s1 =	sld [smem:$0x3FA3]  }
0x28: {  	s2 =	sld [smem:$0x3FA4]  }
0x29: {  	s4 =	sld [smem:$0x3FA6]  }
0x2a: {  	p0 =	seq.s32 s5, $0x0;
	s5 =	sld [smem:$0x3FA7]  }
0x2b: {  	s6 =	sld [smem:$0x3FA8]  }
0x2c: {  	s7 =	sld [smem:$0x3FA9]  }
0x2d: {  	s3 =	simm.s32 $0x108;
	s8 =	sld [smem:$0x3FAA]  }
0x2e: {  	s3 =	simm.s32 @!p0 $0x1082;
	s9 =	sld [smem:$0x3FAB]  }
0x2f: {  	lr =	sadd.s32 s0, s3;
	s0 =	sld [smem:$0x3FA2]  }
0x30: {  	s3 =	sld [smem:$0x3FA5]  }
0x31: {  	[smem:$0x3FAE] =	sst s10  }
0x32: {  	s10 =	sld [smem:$0x3FAC];
	_ =	sdelay $0x3  }
0x33: {  	p0 =	seq.s32 s10, $0x1;
	s10 =	sld [smem:$0x3FAE];
	_ =	sdelay $0x3  }
0x34: {  	[smem:$0x3FAE] =	sst s10  }
0x35: {  	s10 =	sld [smem:$0x3FAD];
	_ =	sdelay $0x3  }
0x36: {  	p1 =	seq.s32 s10, $0x1;
	s10 =	sld [smem:$0x3FAE];
	_ =	sdelay $0x3  }
0x37: {  	[smem:$0x3FAE] =	sst s10  }
0x38: {  	s10 =	sld [smem:$0x3FAF]  }
0x39: {  	_ = 	snop;
	(pc) =	sbr.ind lr, $3  }
0x3a: {  	_ = 	snop  }
0x3b: {  	_ = 	snop  }
0x3c: {  	p2 =	seq.s32 s10, $0x1;
	s10 =	sld [smem:$0x3FAE]  }
0x3d: {  	_ =	shalt  }
0x3e: {  	_ =	shalt  }
0x3f: {  	_ =	shalt  }
0x40: {  	_ =	shalt  }
0x41: {  	_ =	shalt  }
0x42: {  	_ =	shalt  }
0x43: {  	_ =	shalt  }
0x44: {  	_ =	shalt  }
0x45: {  	_ =	shalt  }
0x46: {  	_ =	shalt  }
0x47: {  	_ =	shalt  }
0x48: {  	_ =	shalt  }
0x49: {  	_ =	shalt  }
0x4a: {  	_ =	shalt  }
0x4b: {  	_ =	shalt  }
0x4c: {  	_ =	shalt  }
0x4d: {  	_ =	shalt  }
0x4e: {  	_ =	shalt  }
0x4f: {  	_ =	shalt  }
0x50: {  	_ =	shalt  }
0x51: {  	_ =	shalt  }
0x52: {  	_ =	shalt  }
0x53: {  	_ =	shalt  }
0x54: {  	_ =	shalt  }
0x55: {  	_ =	shalt  }
0x56: {  	_ =	shalt  }
0x57: {  	_ =	shalt  }
0x58: {  	_ =	shalt  }
0x59: {  	_ =	shalt  }
0x5a: {  	_ =	shalt  }
0x5b: {  	_ =	shalt  }
0x5c: {  	_ =	shalt  }
0x5d: {  	_ =	shalt  }
0x5e: {  	_ =	shalt  }
0x5f: {  	_ =	shalt  }
0x60: {  	_ =	shalt  }
0x61: {  	_ =	shalt  }
0x62: {  	_ =	shalt  }
0x63: {  	_ =	shalt  }
0x64: {  	_ =	shalt  }
0x65: {  	_ =	shalt  }
0x66: {  	_ =	shalt  }
0x67: {  	_ =	shalt  }
0x68: {  	_ =	shalt  }
0x69: {  	_ =	shalt  }
0x6a: {  	_ =	shalt  }
0x6b: {  	_ =	shalt  }
0x6c: {  	_ =	shalt  }
0x6d: {  	_ =	shalt  }
0x6e: {  	_ =	shalt  }
0x6f: {  	_ =	shalt  }
0x70: {  	_ =	shalt  }
0x71: {  	_ =	shalt  }
0x72: {  	_ =	shalt  }
0x73: {  	_ =	shalt  }
0x74: {  	_ =	shalt  }
0x75: {  	_ =	shalt  }
0x76: {  	_ =	shalt  }
0x77: {  	_ =	shalt  }
0x78: {  	_ =	shalt  }
0x79: {  	_ =	shalt  }
0x7a: {  	_ =	shalt  }
0x7b: {  	_ =	shalt  }
0x7c: {  	_ =	shalt  }
0x7d: {  	_ =	shalt  }
0x7e: {  	_ =	shalt  }
0x7f: {  	_ =	shalt  }
0x80: {  	_ =	shalt  }
0x81: {  	_ =	shalt  }
0x82: {  	_ =	shalt  }
0x83: {  	_ =	shalt  }
0x84: {  	_ =	shalt  }
0x85: {  	_ =	shalt  }
0x86: {  	_ =	shalt  }
0x87: {  	_ =	shalt  }
.Lfunc_end0:
.L_simem_size_0:
called_computation_lowered:
.L_overlay_start_0:
0x88: {  	s2 =	sld [smem:$0x3FD9]  }
0x89: {  	s3 =	sld [smem:$0x3FFE];
	_ =	sdelay $0x1  }
0x8a: {  	s1 =	srdreg.scid  }
0x8b: {  	s0 =	sand.u32 $0x1, s1  }
0x8c: {  	s17 =	sshll.u32 s0, $0xA;
	s2 =	sadd.s32 s3, s2  }
0x8d: {  	s2 =	sadd.s32 s2, s17  }
0x8e: {  	[smem:$0x3FBA] =	sst s2  }
0x8f: {  	_ = 	snop  }
0x90: {  	s2 =	sld [smem:$0x3FD0];
	(tm) =	ssettm $0x1  }
0x91: {  	s18 =	sld [smem:$0x3FFB];
	_ =	sdelay $0x3  }
0x92: {  	_ =	strace s18  }
0x93: {  	s3 =	sld [smem:$0x3FFC];
	_ =	sdelay $0x3  }
0x94: {  	_ =	strace s3  }
0x95: {  	s3 =	sld [smem:$0x3FFD];
	_ =	sdelay $0x3  }
0x96: {  	_ =	strace s3  }
0x97: {  	_ =	strace $0x8FFFFFFF  }
0x98: {  	s19 =	sld [smem:$0x3FDB];
	_ =	sdelay $0x1  }
0x99: {  	s4 =	simm.s32 $_scs_section_size  }
0x9a: {  	s5 =	simm.s32 $_size__tile_overlayer_lowered;
	s6 =	simm.s32 $_tile_overlayer_lowered  }
0x9b: {  	s22 =	simm.s32 $0x1BFF;
	s21 =	sshll.u32 s6, $0x1;
	s3 =	sadd.s32 s4, s19  }
0x9c: {  	s7 =	simm.s32 $0x0;
	s20 =	sshll.u32 s5, $0x1;
	s5 =	sadd.s32 s21, s3  }
0x9d: {  	[timem:s7], [sflag:s22] =	dma.local [hbm:s5], s20  }
0x9e: {  	_ =	swait.ge [sflag:s22], s20  }
0x9f: {  	s4 =	ssub.s32 $0x0, s20;
	[sflag:s22] =	ssyncset.done $0x0  }
0xa0: {  	[sflag:s22] =	ssyncadd.s32 s4;
	_ =	sdelay $0x1  }
0xa1: {  	s23 =	simm.s32 $0x1B8B  }
0xa2: {  	_ =	swait.ge [sflag:s23], $0x1  }
0xa3: {  	[sflag:s23] =	ssyncset.done $0x0  }
0xa4: {  	s25 =	simm.s32 $0x1B8E;
	s24 =	sld [smem:$0x3FFE];
	[sflag:s23] =	ssyncadd.s32 $0xFFFFFFFF  }
0xa5: {  	s26 =	simm.s32 $execute0_lowered;
	[smem:$0x3FD2] =	sst s25  }
0xa6: {  	s5 =	sshll.u32 s26, $0x1;
	_ =	strace $0x80000046;
	[dreg:$0x1] =	wrdreg $0xFFFFFFFF  }
0xa7: {  	s28 =	simm.s32 $_size_execute0_lowered;
	s3 =	sadd.s32 s3, s5;
	[dreg:$0x0] =	wrdreg $0x0  }
0xa8: {  	s5 =	sshll.u32 s28, $0x1;
	[dreg:$0x2] =	wrdreg s3  }
0xa9: {  	[dreg:$0x3] =	wrdreg s5  }
0xaa: {  	[dreg:$0x4] =	wrdreg $0xC0  }
0xab: {  	_ =	task [dreg:s7], $0x5FFFF  }
0xac: {  	[dreg:$0x1] =	wrdreg $0xFFFFFFFF  }
0xad: {  	[dreg:$0x0] =	wrdreg $0x60  }
0xae: {  	[dreg:$0x2] =	wrdreg s24  }
0xaf: {  	[dreg:$0x3] =	wrdreg s2  }
0xb0: {  	[dreg:$0x4] =	wrdreg $0x2F800  }
0xb1: {  	[dreg:$0x5] =	wrdreg $0x9  }
0xb2: {  	_ =	task.clear_ibuf [dreg:s7], $0x6FFFF;
	_ =	strace $0x90000046  }
0xb3: {  	s29 =	simm.s32 $0x9;
	_ =	strace $0x80000048  }
0xb4: {  	_ =	swait.ge [sflag:s29], $0x1  }
0xb5: {  	[sflag:s29] =	ssyncadd.s32 $0xFFFFFFFF  }
0xb6: {  	_ =	strace $0x90000048  }
0xb7: {  	_ =	sfence  }
0xb8: {  	s30 =	sld [smem:$0x0];
	_ =	sdelay $0x2  }
0xb9: {  	s31 =	sshll.u32 s1, $0xD;
	s1 =	sshrl.u32 s1, $0x2  }
0xba: {  	s3 =	sand.u32 $0x4000, s31;
	s1 =	sadd.s32 s1, s30  }
0xbb: {  	s0 =	sor.u32 s3, s0;
	s1 =	sshll.u32 s1, $0x11  }
0xbc: {  	s0 =	sor.u32 s1, s0  }
0xbd: {  	s0 =	sadd.s32 $0x8F2B, s0  }
0xbe: {  	[sflag:s0] =	ssyncadd.remote.s32 $0x1  }
0xbf: {  	_ =	sfence.sel $0xFFFF  }
0xc0: {  	[dreg:$0x0] =	wrdreg $0xFFFFFFFF;
	(pc) =	sbr.abs _section_cstart, $3  }
0xc1: {  	[dreg:$0x1] =	wrdreg $0xFFFFFFFF  }
0xc2: {  	_ =	task.clear_ibuf [dreg:s7], $0x2FFFF;
	_ =	strace $0x9FFFFFFF  }
0xc3: {  	(tm) =	ssettm $0x7FFFFFFF  }
tec
execute0_lowered:
.L_overlay_start_1:
0x0: {  	(tag) =	ssettag $0x1  }
0x1: {  	s6 =	rddreg [dreg:$0x0]  }
0x2: {  	s2 =	rddreg [dreg:$0x1]  }
0x3: {  	s3 =	rddreg [dreg:$0x2]  }
0x4: {  	s0 =	rddreg [dreg:$0x3]  }
0x5: {  	s1 =	stileid.u32;
	s5 =	srdreg.scid;
	s4 =	simm.s32 $0x0  }
0x6: {  	s13 =	simm.s32 $0x80;
	s14 =	simm.s32 $0x0;
	s7 =	smul.u32 $0x2800, s1  }
0x7: {  	s5 =	sand.u32 $0x1, s5;
	[smem:$0x7FF] =	sst s4;
	s31 =	sshll.u32 s1, $0x6  }
0x8: {  	s8 =	smul.u32 $0x28000, s5;
	_ =	strace $0x80000047;
	s9 =	sshll.u32 s5, $0x4  }
0x9: {  	s5 =	ssub.s32 $0x2, s5;
	s10 =	sshrl.u32 s7, $0x3;
	s9 =	sor.u32 s1, s9  }
0xa: {  	s11 =	sshrl.u32 s5, $0x1;
	s12 =	sadd.s32 s7, s3;
	s8 =	sadd.s32 s7, s8  }
0xb: {  	s9 =	smul.u32 $0x2780, s9;
	s10 =	sadd.s32 s10, s6;
	s11 =	ssub.s32 s5, s11  }
0xc: {  	s8 =	sshrl.u32 s8, $0x3;
	s5 =	sadd.s32 $0x16600, s10;
	s10 =	sshrl.u32 s12, $0x3  }
0xd: {  	s12 =	simm.s32 $0x2780;
	s8 =	sadd.s32 s8, s6;
	s30 =	sshrl.u32 s9, $0x3  }
0xe: {  	s9 =	smax.u32 s11, $0x1;
	s11 =	simm.s32 $0x1;
	s7 =	sadd.s32 s6, s30  }
0xf: {  	s6 =	sor.u32 $0x1C01, s31;
	s8 =	sadd.s32 $0x1B600, s8;
	s7 =	sadd.s32 $0xC800, s7  }
.LBB2_1:
0x10: {  	[spmem:s10], [sflag:s6] =	dma.local [hbm:s5], $0x500  }
0x11: {  	_ =	swait.ge [sflag:s11], $0x500  }
0x12: {  	[sflag:s11] =	ssyncset.done $0x0  }
0x13: {  	[sflag:s11] =	ssyncadd.s32 $0xFFFFFB00  }
0x14: {  	[tilespmem:s12], [sflag:$0x1] =	stream.linear.gather [hbm4b:s2+s4], $0x800, $0x38;
	[tilespmem:$0x5780] =	vst v63  }
0x15: {  	_ =	swait.ge [sflag:s11], $0x800  }
0x16: {  	[sflag:s11] =	ssyncset.done $0x0  }
0x17: {  	[sflag:s11] =	ssyncadd.s32 $0xFFFFF800  }
0x18: {  	[tilespmem:s4], [sflag:$0x1] =	stream.linear.gather [hbm4b:s7+s4], $0x2780, $0x38;
	[tilespmem:$0x5780] =	vst v63  }
0x19: {  	_ =	swait.ge [sflag:s11], $0x2780  }
0x1a: {  	[sflag:s11] =	ssyncset.done $0x0  }
0x1b: {  	[sflag:s11] =	ssyncadd.s32 $0xFFFFD880  }
0x1c: {  	s15 =	simm.s32 $0x0;
	[bflag:$0x0] =	sbarrier.arrive $0xFFFF  }
0x1d: {  	[spmem:s3] =	stream.indirect.scatter.add.f32 [tilespmem:s12], [sflag:$0x1], $0x10, s15, s13, $0xb8;
	[tilespmem:$0x5780] =	vst v63  }
0x1e: {  	_ =	swait.ge [sflag:s11], $0x800  }
0x1f: {  	s15 =	simm.s32 $0x200;
	[sflag:s11] =	ssyncset.done $0x0  }
.LBB2_2:
0x20: {  	s16 =	sshra.s32 s15, $0x2;
	[sflag:s11] =	ssyncadd.s32 $0xFFFFF800;
	p0 =	sne.s32 s15, $0x9C00  }
0x21: {  	[spmem:s3] =	stream.indirect.scatter.add.f32 [tilespmem:s12], [sflag:$0x1], $0x10, s16, s13, $0xb8;
	[tilespmem:$0x5780] =	vst v63  }
.Ltmp0:
0x22: {  	_ = 	snop;
	(pc) =	sbr.rel @p0 .LBB2_2-.Ltmp0, $4  }
0x23: {  	_ = 	snop  }
0x24: {  	s15 =	sadd.s32 $0x200, s15  }
0x25: {  	_ =	swait.ge [sflag:s11], $0x800  }
0x26: {  	[sflag:s11] =	ssyncset.done $0x0  }
0x27: {  	s14 =	sadd.s32 $0x1, s14  }
0x28: {  	[sflag:s11] =	ssyncadd.s32 $0xFFFFF800;
	p0 =	sne.s32 s14, s9  }
.Ltmp1:
0x29: {  	[bflag:$0x0] =	sbarrier.arrive $0xFFFF;
	(pc) =	sbr.rel @p0 .LBB2_1-.Ltmp1, $4  }
0x2a: {  	[hbm:s8], [sflag:s6] =	dma.local [spmem:s10], $0x500  }
0x2b: {  	_ =	swait.ge [sflag:s11], $0x500  }
0x2c: {  	[sflag:s11] =	ssyncset.done $0x0  }
0x2d: {  	[sflag:s11] =	ssyncadd.s32 $0xFFFFFB00  }
0x2e: {  	_ =	sfence.sel $0x180000  }
0x2f: {  	[bflag:$0x0] =	sbarrier.arrive $0xFFFF  }
0x30: {  	p0 =	sne.s32 s1, $0x0;
	_ =	strace $0x90000047  }
0x31: {  	s0 =	sadd.s32 @!p0 $0x100000, s0;
	[bflag:$0x2] =	sbarrier.arrive $0xFFFF  }
0x32: {  	[sflag:s0] =	ssyncadd.tile.s32 @!p0 $0x1;
	_ =	shalt  }
.Lfunc_end2:
_tile_overlayer_lowered:
.L_overlay_start_2:
0x33: {  	(tag) =	ssettag $0x2  }
0x34: {  	s0 =	rddreg [dreg:$0x0];
	s2 =	stileid.u32  }
0x35: {  	s1 =	rddreg [dreg:$0x1];
	p0 =	sne.s32 s2, $0x0  }
0x36: {  	s3 =	rddreg [dreg:$0x2];
	[bflag:$0x3] =	sbarrier.arrive $0xFFFF;
	s2 =	simm.s32 @!p0 $0x1C01  }
0x37: {  	[timem:s3], [sflag:s2] =	dma.local @!p0 [hbm:s0], s1  }
0x38: {  	s0 =	simm.s32 @!p0 $0x1  }
0x39: {  	_ =	swait.ge @!p0 [sflag:s0], s1  }
0x3a: {  	s1 =	ssub.s32 @!p0 $0x0, s1;
	[sflag:s0] =	ssyncset.done @!p0 $0x0  }
0x3b: {  	[sflag:s0] =	ssyncadd.s32 @!p0 s1  }
0x3c: {  	[bflag:$0x3] =	sbarrier.arrive $0xFFFF  }
0x3d: {  	_ =	shalt  }

// kernel: kernel.9.cloned.1.call-start
scs
__scs_entry_jumppad:
0x0: {  	(pc) =	sbr.rel $0x88, $3  }
0x1: {  	(tag) =	ssettag $0x0;
	lr =	simm.s32 $0x1  }
0x2: {  	[smem:$0x3F93] =	sst lr;
	_ =	strace $0xD0000000  }
0x3: {  	_ = 	snop  }
0x4: {  	_ = 	snop  }
0x5: {  	_ = 	snop  }
0x6: {  	_ = 	snop  }
0x7: {  	_ = 	snop  }
__scs_overlays_trampoline_lowered:
0x8: {  	[smem:$0x3FA2] =	sst s0  }
0x9: {  	[smem:$0x3FA3] =	sst s1  }
0xa: {  	[smem:$0x3FA4] =	sst s2  }
0xb: {  	[smem:$0x3FA5] =	sst s3  }
0xc: {  	[smem:$0x3FA6] =	sst s4  }
0xd: {  	[smem:$0x3FA7] =	sst s5  }
0xe: {  	[smem:$0x3FA8] =	sst s6  }
0xf: {  	[smem:$0x3FA9] =	sst s7  }
0x10: {  	[smem:$0x3FAA] =	sst s8  }
0x11: {  	[smem:$0x3FAB] =	sst s9;
	s0 =	simm.s32 @!p0 $0x0  }
0x12: {  	s1 =	sld [smem:$0x3F91];
	s0 =	simm.s32 @p0 $0x1  }
0x13: {  	[smem:$0x3FAC] =	sst s0;
	s0 =	simm.s32 @!p1 $0x0  }
0x14: {  	s2 =	sld [smem:$0x3F90];
	s0 =	simm.s32 @p1 $0x1  }
0x15: {  	[smem:$0x3FAD] =	sst s0;
	s0 =	simm.s32 @!p2 $0x0  }
0x16: {  	s3 =	sld [smem:$0x3FDB];
	s0 =	simm.s32 @p2 $0x1  }
0x17: {  	s4 =	simm.s32 $0x1BF5;
	[smem:$0x3FAF] =	sst s0  }
0x18: {  	s0 =	sld [smem:$0x3F92];
	_ =	swait.ge [sflag:s4], $0x0  }
0x19: {  	s7 =	sld [smem:$0x3F93]  }
0x1a: {  	s8 =	sadd.s32 $0xFFFFE003, lr  }
0x1b: {  	s9 =	sadd.s32 $0xFFFFFEF7, lr;
	s5 =	simm.s32 $0xFFFFFFFF;
	p2 =	slt.u32 s8, $0xFFFFF086  }
0x1c: {  	p1 =	slt.u32 s9, $0xF7A;
	s5 =	simm.s32 @!p2 $0x0  }
0x1d: {  	s5 =	simm.s32 @p1 $0x1;
	p0 =	seq.s32 s7, s2  }
0x1e: {  	s7 =	smul.u32 @!p0 $0xF7A, s2;
	p2 =	seq.s32 @!p0 s5, $0x0  }
0x1f: {  	s9 =	smul.u32 $0xF7A, s1;
	s8 =	simm.s32 @!p0 $0x1BF5;
	p2 =	por !p2, p0  }
0x20: {  	[sflag:s8] =	ssyncset.s32 @!p0 $0xFFFFF086;
	s6 =	sadd.s32 @!p0 s3, s7;
	s7 =	simm.s32 @!p0 $0x108  }
0x21: {  	s3 =	sadd.s32 s3, s9;
	s6 =	sadd.s32 @!p0 $0x88, s6;
	s7 =	simm.s32 @p2 $0x1082  }
0x22: {  	[simem:s7], [sflag:s8] =	dma.local @!p0 [hbm:s6], $0xF7A  }
0x23: {  	s9 =	sor.u32 $0xD0000000, s2;
	s6 =	simm.s32 $0x108;
	_ =	swait.ge @!p0 [sflag:s8], $0x0  }
0x24: {  	s3 =	sadd.s32 $0x88, s3;
	s6 =	simm.s32 @!p1 $0x1082;
	[sflag:s4] =	ssyncset.s32 $0xFFFFF086  }
0x25: {  	[simem:s6], [sflag:s4] =	dma.local [hbm:s3], $0xF7A  }
0x26: {  	[smem:$0x3F93] =	sst s1;
	(tag) =	ssettag s2;
	_ =	strace s9  }
0x27: {  	s1 =	sld [smem:$0x3FA3]  }
0x28: {  	s2 =	sld [smem:$0x3FA4]  }
0x29: {  	s4 =	sld [smem:$0x3FA6]  }
0x2a: {  	p0 =	seq.s32 s5, $0x0;
	s5 =	sld [smem:$0x3FA7]  }
0x2b: {  	s6 =	sld [smem:$0x3FA8]  }
0x2c: {  	s7 =	sld [smem:$0x3FA9]  }
0x2d: {  	s3 =	simm.s32 $0x108;
	s8 =	sld [smem:$0x3FAA]  }
0x2e: {  	s3 =	simm.s32 @!p0 $0x1082;
	s9 =	sld [smem:$0x3FAB]  }
0x2f: {  	lr =	sadd.s32 s0, s3;
	s0 =	sld [smem:$0x3FA2]  }
0x30: {  	s3 =	sld [smem:$0x3FA5]  }
0x31: {  	[smem:$0x3FAE] =	sst s10  }
0x32: {  	s10 =	sld [smem:$0x3FAC];
	_ =	sdelay $0x3  }
0x33: {  	p0 =	seq.s32 s10, $0x1;
	s10 =	sld [smem:$0x3FAE];
	_ =	sdelay $0x3  }
0x34: {  	[smem:$0x3FAE] =	sst s10  }
0x35: {  	s10 =	sld [smem:$0x3FAD];
	_ =	sdelay $0x3  }
0x36: {  	p1 =	seq.s32 s10, $0x1;
	s10 =	sld [smem:$0x3FAE];
	_ =	sdelay $0x3  }
0x37: {  	[smem:$0x3FAE] =	sst s10  }
0x38: {  	s10 =	sld [smem:$0x3FAF]  }
0x39: {  	_ = 	snop;
	(pc) =	sbr.ind lr, $3  }
0x3a: {  	_ = 	snop  }
0x3b: {  	_ = 	snop  }
0x3c: {  	p2 =	seq.s32 s10, $0x1;
	s10 =	sld [smem:$0x3FAE]  }
0x3d: {  	_ =	shalt  }
0x3e: {  	_ =	shalt  }
0x3f: {  	_ =	shalt  }
0x40: {  	_ =	shalt  }
0x41: {  	_ =	shalt  }
0x42: {  	_ =	shalt  }
0x43: {  	_ =	shalt  }
0x44: {  	_ =	shalt  }
0x45: {  	_ =	shalt  }
0x46: {  	_ =	shalt  }
0x47: {  	_ =	shalt  }
0x48: {  	_ =	shalt  }
0x49: {  	_ =	shalt  }
0x4a: {  	_ =	shalt  }
0x4b: {  	_ =	shalt  }
0x4c: {  	_ =	shalt  }
0x4d: {  	_ =	shalt  }
0x4e: {  	_ =	shalt  }
0x4f: {  	_ =	shalt  }
0x50: {  	_ =	shalt  }
0x51: {  	_ =	shalt  }
0x52: {  	_ =	shalt  }
0x53: {  	_ =	shalt  }
0x54: {  	_ =	shalt  }
0x55: {  	_ =	shalt  }
0x56: {  	_ =	shalt  }
0x57: {  	_ =	shalt  }
0x58: {  	_ =	shalt  }
0x59: {  	_ =	shalt  }
0x5a: {  	_ =	shalt  }
0x5b: {  	_ =	shalt  }
0x5c: {  	_ =	shalt  }
0x5d: {  	_ =	shalt  }
0x5e: {  	_ =	shalt  }
0x5f: {  	_ =	shalt  }
0x60: {  	_ =	shalt  }
0x61: {  	_ =	shalt  }
0x62: {  	_ =	shalt  }
0x63: {  	_ =	shalt  }
0x64: {  	_ =	shalt  }
0x65: {  	_ =	shalt  }
0x66: {  	_ =	shalt  }
0x67: {  	_ =	shalt  }
0x68: {  	_ =	shalt  }
0x69: {  	_ =	shalt  }
0x6a: {  	_ =	shalt  }
0x6b: {  	_ =	shalt  }
0x6c: {  	_ =	shalt  }
0x6d: {  	_ =	shalt  }
0x6e: {  	_ =	shalt  }
0x6f: {  	_ =	shalt  }
0x70: {  	_ =	shalt  }
0x71: {  	_ =	shalt  }
0x72: {  	_ =	shalt  }
0x73: {  	_ =	shalt  }
0x74: {  	_ =	shalt  }
0x75: {  	_ =	shalt  }
0x76: {  	_ =	shalt  }
0x77: {  	_ =	shalt  }
0x78: {  	_ =	shalt  }
0x79: {  	_ =	shalt  }
0x7a: {  	_ =	shalt  }
0x7b: {  	_ =	shalt  }
0x7c: {  	_ =	shalt  }
0x7d: {  	_ =	shalt  }
0x7e: {  	_ =	shalt  }
0x7f: {  	_ =	shalt  }
0x80: {  	_ =	shalt  }
0x81: {  	_ =	shalt  }
0x82: {  	_ =	shalt  }
0x83: {  	_ =	shalt  }
0x84: {  	_ =	shalt  }
0x85: {  	_ =	shalt  }
0x86: {  	_ =	shalt  }
0x87: {  	_ =	shalt  }
.Lfunc_end0:
.L_simem_size_0:
called_computation.1_lowered:
.L_overlay_start_0:
0x88: {  	s2 =	sld [smem:$0x3FD9]  }
0x89: {  	s3 =	sld [smem:$0x3FFE];
	_ =	sdelay $0x1  }
0x8a: {  	s1 =	srdreg.scid  }
0x8b: {  	s0 =	sand.u32 $0x1, s1  }
0x8c: {  	s16 =	sshll.u32 s0, $0xA;
	s2 =	sadd.s32 s3, s2  }
0x8d: {  	s2 =	sadd.s32 s2, s16  }
0x8e: {  	[smem:$0x3FBA] =	sst s2  }
0x8f: {  	_ = 	snop  }
0x90: {  	(tm) =	ssettm $0x1  }
0x91: {  	s17 =	sld [smem:$0x3FFB];
	_ =	sdelay $0x3  }
0x92: {  	_ =	strace s17  }
0x93: {  	s2 =	sld [smem:$0x3FFC];
	_ =	sdelay $0x3  }
0x94: {  	_ =	strace s2  }
0x95: {  	s2 =	sld [smem:$0x3FFD];
	_ =	sdelay $0x3  }
0x96: {  	_ =	strace s2  }
0x97: {  	_ =	strace $0x8FFFFFFF  }
0x98: {  	s18 =	sld [smem:$0x3FDB];
	_ =	sdelay $0x1  }
0x99: {  	s19 =	simm.s32 $_scs_section_size  }
0x9a: {  	s4 =	simm.s32 $_size__tile_overlayer_lowered;
	s5 =	simm.s32 $_tile_overlayer_lowered  }
0x9b: {  	s22 =	simm.s32 $0x1BFF;
	s21 =	sshll.u32 s5, $0x1;
	s2 =	sadd.s32 s19, s18  }
0x9c: {  	s6 =	simm.s32 $0x0;
	s20 =	sshll.u32 s4, $0x1;
	s4 =	sadd.s32 s21, s2  }
0x9d: {  	[timem:s6], [sflag:s22] =	dma.local [hbm:s4], s20  }
0x9e: {  	_ =	swait.ge [sflag:s22], s20  }
0x9f: {  	s3 =	ssub.s32 $0x0, s20;
	[sflag:s22] =	ssyncset.done $0x0  }
0xa0: {  	[sflag:s22] =	ssyncadd.s32 s3;
	_ =	sdelay $0x1  }
0xa1: {  	s23 =	simm.s32 $0x1B8B  }
0xa2: {  	_ =	swait.ge [sflag:s23], $0x1  }
0xa3: {  	[sflag:s23] =	ssyncset.done $0x0  }
0xa4: {  	s25 =	simm.s32 $0x1B8E;
	s24 =	sld [smem:$0x3FFE];
	[sflag:s23] =	ssyncadd.s32 $0xFFFFFFFF  }
0xa5: {  	s26 =	simm.s32 $execute0_lowered;
	[smem:$0x3FD2] =	sst s25  }
0xa6: {  	s4 =	sshll.u32 s26, $0x1;
	_ =	strace $0x80000049;
	[dreg:$0x1] =	wrdreg $0xFFFFFFFF  }
0xa7: {  	s28 =	simm.s32 $_size_execute0_lowered;
	s2 =	sadd.s32 s2, s4;
	[dreg:$0x0] =	wrdreg $0x0  }
0xa8: {  	s4 =	sshll.u32 s28, $0x1;
	[dreg:$0x2] =	wrdreg s2  }
0xa9: {  	[dreg:$0x3] =	wrdreg s4  }
0xaa: {  	[dreg:$0x4] =	wrdreg $0xC0  }
0xab: {  	_ =	task [dreg:s6], $0x5FFFF  }
0xac: {  	[dreg:$0x1] =	wrdreg $0xFFFFFFFF  }
0xad: {  	[dreg:$0x0] =	wrdreg $0x60  }
0xae: {  	[dreg:$0x2] =	wrdreg s24  }
0xaf: {  	[dreg:$0x3] =	wrdreg $0x10F000  }
0xb0: {  	[dreg:$0x4] =	wrdreg $0x6F000  }
0xb1: {  	[dreg:$0x5] =	wrdreg $0x9  }
0xb2: {  	_ =	task.clear_ibuf [dreg:s6], $0x6FFFF;
	_ =	strace $0x90000049  }
0xb3: {  	s29 =	simm.s32 $0x9;
	_ =	strace $0x8000004B  }
0xb4: {  	_ =	swait.ge [sflag:s29], $0x1  }
0xb5: {  	[sflag:s29] =	ssyncadd.s32 $0xFFFFFFFF  }
0xb6: {  	_ =	strace $0x9000004B  }
0xb7: {  	_ =	sfence  }
0xb8: {  	s30 =	sld [smem:$0x0];
	_ =	sdelay $0x2  }
0xb9: {  	s31 =	sshll.u32 s1, $0xD;
	s1 =	sshrl.u32 s1, $0x2  }
0xba: {  	s3 =	sand.u32 $0x4000, s31;
	s1 =	sadd.s32 s1, s30  }
0xbb: {  	s0 =	sor.u32 s3, s0;
	s1 =	sshll.u32 s1, $0x11  }
0xbc: {  	s0 =	sor.u32 s1, s0  }
0xbd: {  	s0 =	sadd.s32 $0x8F2B, s0  }
0xbe: {  	[sflag:s0] =	ssyncadd.remote.s32 $0x1  }
0xbf: {  	_ =	sfence.sel $0xFFFF  }
0xc0: {  	[dreg:$0x0] =	wrdreg $0xFFFFFFFF;
	(pc) =	sbr.abs _section_cstart, $3  }
0xc1: {  	[dreg:$0x1] =	wrdreg $0xFFFFFFFF  }
0xc2: {  	_ =	task.clear_ibuf [dreg:s6], $0x2FFFF;
	_ =	strace $0x9FFFFFFF  }
0xc3: {  	(tm) =	ssettm $0x7FFFFFFF  }
tec
execute0_lowered:
.L_overlay_start_1:
0x0: {  	(tag) =	ssettag $0x1  }
0x1: {  	s5 =	rddreg [dreg:$0x0]  }
0x2: {  	s2 =	rddreg [dreg:$0x1];
	s0 =	srdreg.scid  }
0x3: {  	s3 =	rddreg [dreg:$0x2];
	s1 =	stileid.u32;
	s4 =	simm.s32 $0x0  }
0x4: {  	s16 =	simm.s32 $0x80;
	s17 =	simm.s32 $0x4F00;
	s18 =	simm.s32 $0x0  }
0x5: {  	s6 =	sand.u32 $0x1, s0;
	s0 =	rddreg [dreg:$0x3];
	s7 =	smul.u32 $0xA000, s1  }
0x6: {  	[smem:$0x7FF] =	sst s4;
	s31 =	sshll.u32 s1, $0x6;
	s8 =	sshll.u32 s6, $0x4  }
0x7: {  	s9 =	smul.u32 $0xA0000, s6;
	_ =	strace $0x8000004A;
	s6 =	ssub.s32 $0x2, s6  }
0x8: {  	s8 =	sor.u32 s1, s8;
	s10 =	sshrl.u32 s7, $0x3;
	s30 =	sshrl.u32 s6, $0x1  }
0x9: {  	s14 =	sadd.s32 s7, s2;
	s15 =	sadd.s32 s7, s3;
	s8 =	smul.u32 $0x2780, s8  }
0xa: {  	s10 =	sadd.s32 s10, s5;
	s9 =	sadd.s32 s7, s9;
	s13 =	ssub.s32 s6, s30  }
0xb: {  	s6 =	sor.u32 $0x1C01, s31;
	s9 =	sshrl.u32 s9, $0x3;
	s8 =	sshrl.u32 s8, $0x3  }
0xc: {  	s7 =	sadd.s32 $0x66600, s10;
	s12 =	sadd.s32 s9, s5;
	s11 =	sadd.s32 s8, s5  }
0xd: {  	s5 =	sadd.s32 $0x7A600, s10;
	s10 =	sadd.s32 $0x8E600, s12;
	s12 =	sshrl.u32 s14, $0x3  }
0xe: {  	s14 =	sshrl.u32 s15, $0x3;
	s15 =	simm.s32 $0x2780;
	s8 =	sadd.s32 $0x2A00, s11  }
0xf: {  	s9 =	sadd.s32 $0xC800, s11;
	s11 =	smax.u32 s13, $0x1;
	s13 =	simm.s32 $0x1  }
.LBB2_1:
0x10: {  	[spmem:s12], [sflag:s6] =	dma.local [hbm:s5], $0x1400  }
0x11: {  	_ =	swait.ge [sflag:s13], $0x1400  }
0x12: {  	[sflag:s13] =	ssyncset.done $0x0  }
0x13: {  	[sflag:s13] =	ssyncadd.s32 $0xFFFFEC00  }
0x14: {  	[spmem:s14], [sflag:s6] =	dma.local [hbm:s7], $0x1400  }
0x15: {  	_ =	swait.ge [sflag:s13], $0x1400  }
0x16: {  	[sflag:s13] =	ssyncset.done $0x0  }
0x17: {  	[sflag:s13] =	ssyncadd.s32 $0xFFFFEC00  }
0x18: {  	[tilespmem:s4], [sflag:$0x1] =	stream.linear.gather [hbm4b:s8+s4], $0x2780, $0x38;
	[tilespmem:$0x1AF00] =	vst v63  }
0x19: {  	_ =	swait.ge [sflag:s13], $0x2780  }
0x1a: {  	[sflag:s13] =	ssyncset.done $0x0  }
0x1b: {  	[sflag:s13] =	ssyncadd.s32 $0xFFFFD880  }
0x1c: {  	[tilespmem:s15], [sflag:$0x1] =	stream.linear.gather [hbm4b:s9+s4], $0x2780, $0x38;
	[tilespmem:$0x1AF00] =	vst v63  }
0x1d: {  	_ =	swait.ge [sflag:s13], $0x2780  }
0x1e: {  	[sflag:s13] =	ssyncset.done $0x0  }
0x1f: {  	[sflag:s13] =	ssyncadd.s32 $0xFFFFD880  }
0x20: {  	s19 =	simm.s32 $0x0;
	[bflag:$0x0] =	sbarrier.arrive $0xFFFF  }
0x21: {  	[tilespmem:s17], [sflag:$0x1] =	stream.indirect.gather [spmem:s3], $0x40, s19, s16, $0xb8;
	[tilespmem:$0x1AF00] =	vst v63  }
0x22: {  	_ =	swait.ge [sflag:s13], $0x2000  }
0x23: {  	[sflag:s13] =	ssyncset.done $0x0  }
0x24: {  	s31 =	simm.s32 $0x2780;
	[sflag:s13] =	ssyncadd.s32 $0xFFFFE000  }
0x25: {  	[spmem:s2] =	stream.indirect.scatter.add.f32 [tilespmem:s17], [sflag:$0x1], $0x40, s31, s16, $0xb8;
	[tilespmem:$0x1AF00] =	vst v63  }
0x26: {  	_ =	swait.ge [sflag:s13], $0x2000  }
0x27: {  	s20 =	simm.s32 $0x400;
	s19 =	simm.s32 $0x200;
	[sflag:s13] =	ssyncset.done $0x0  }
.LBB2_2:
0x28: {  	s21 =	sshra.s32 s19, $0x2  }
0x29: {  	[sflag:s13] =	ssyncadd.s32 $0xFFFFE000;
	s19 =	smov.u32 s20;
	s22 =	sadd.s32 $0x200, s20  }
0x2a: {  	[tilespmem:s17], [sflag:$0x1] =	stream.indirect.gather [spmem:s3], $0x40, s21, s16, $0xb8;
	[tilespmem:$0x1AF00] =	vst v63  }
0x2b: {  	p0 =	sne.s32 s20, $0x9C00;
	_ =	swait.ge [sflag:s13], $0x2000  }
.Ltmp0:
0x2c: {  	[sflag:s13] =	ssyncset.done $0x0;
	(pc) =	sbr.rel @p0 .LBB2_2-.Ltmp0, $4  }
0x2d: {  	s20 =	sadd.s32 $0x2780, s21;
	[sflag:s13] =	ssyncadd.s32 $0xFFFFE000  }
0x2e: {  	[spmem:s2] =	stream.indirect.scatter.add.f32 [tilespmem:s17], [sflag:$0x1], $0x40, s20, s16, $0xb8;
	[tilespmem:$0x1AF00] =	vst v63  }
0x2f: {  	_ =	swait.ge [sflag:s13], $0x2000  }
0x30: {  	s20 =	smov.u32 s22;
	[sflag:s13] =	ssyncset.done $0x0  }
0x31: {  	s19 =	sshra.s32 s19, $0x2;
	[sflag:s13] =	ssyncadd.s32 $0xFFFFE000  }
0x32: {  	[tilespmem:s17], [sflag:$0x1] =	stream.indirect.gather [spmem:s3], $0x40, s19, s16, $0xb8;
	[tilespmem:$0x1AF00] =	vst v63  }
0x33: {  	_ =	swait.ge [sflag:s13], $0x2000  }
0x34: {  	[sflag:s13] =	ssyncset.done $0x0  }
0x35: {  	s19 =	sadd.s32 $0x2780, s19;
	[sflag:s13] =	ssyncadd.s32 $0xFFFFE000  }
0x36: {  	[spmem:s2] =	stream.indirect.scatter.add.f32 [tilespmem:s17], [sflag:$0x1], $0x40, s19, s16, $0xb8;
	[tilespmem:$0x1AF00] =	vst v63  }
0x37: {  	_ =	swait.ge [sflag:s13], $0x2000  }
0x38: {  	s18 =	sadd.s32 $0x1, s18;
	[sflag:s13] =	ssyncset.done $0x0  }
0x39: {  	p0 =	sne.s32 s18, s11;
	[sflag:s13] =	ssyncadd.s32 $0xFFFFE000  }
.Ltmp1:
0x3a: {  	[bflag:$0x0] =	sbarrier.arrive $0xFFFF;
	(pc) =	sbr.rel @p0 .LBB2_1-.Ltmp1, $4  }
0x3b: {  	[hbm:s10], [sflag:s6] =	dma.local [spmem:s12], $0x1400  }
0x3c: {  	_ =	swait.ge [sflag:s13], $0x1400  }
0x3d: {  	[sflag:s13] =	ssyncset.done $0x0  }
0x3e: {  	[sflag:s13] =	ssyncadd.s32 $0xFFFFEC00  }
0x3f: {  	_ =	sfence.sel $0x180000  }
0x40: {  	[bflag:$0x0] =	sbarrier.arrive $0xFFFF  }
0x41: {  	p0 =	sne.s32 s1, $0x0;
	_ =	strace $0x9000004A  }
0x42: {  	s0 =	sadd.s32 @!p0 $0x100000, s0;
	[bflag:$0x2] =	sbarrier.arrive $0xFFFF  }
0x43: {  	[sflag:s0] =	ssyncadd.tile.s32 @!p0 $0x1;
	_ =	shalt  }
.Lfunc_end2:
_tile_overlayer_lowered:
.L_overlay_start_2:
0x44: {  	(tag) =	ssettag $0x2  }
0x45: {  	s0 =	rddreg [dreg:$0x0];
	s2 =	stileid.u32  }
0x46: {  	s1 =	rddreg [dreg:$0x1];
	p0 =	sne.s32 s2, $0x0  }
0x47: {  	s3 =	rddreg [dreg:$0x2];
	[bflag:$0x3] =	sbarrier.arrive $0xFFFF;
	s2 =	simm.s32 @!p0 $0x1C01  }
0x48: {  	[timem:s3], [sflag:s2] =	dma.local @!p0 [hbm:s0], s1  }
0x49: {  	s0 =	simm.s32 @!p0 $0x1  }
0x4a: {  	_ =	swait.ge @!p0 [sflag:s0], s1  }
0x4b: {  	s1 =	ssub.s32 @!p0 $0x0, s1;
	[sflag:s0] =	ssyncset.done @!p0 $0x0  }
0x4c: {  	[sflag:s0] =	ssyncadd.s32 @!p0 s1  }
0x4d: {  	[bflag:$0x3] =	sbarrier.arrive $0xFFFF  }
0x4e: {  	_ =	shalt  }

</sc_bundles>
